<compile_context>
chip_gen: v7x
topology: tpu7x:2x2x1
jax: 0.10.2.dev20260603
libtpu: 0.0.44.dev20260713+nightly
codegen_flags: <defaults>
</compile_context>

<pallas_src>
import functools

import jax
import jax.numpy as jnp
from jax import lax
from jax.experimental import pallas as pl
from jax.experimental.pallas import tpu as pltpu
from jax.experimental.pallas import tpu_sc as plsc

N_BINS = 128
L = 16
N_CHUNKS = N_BINS // L


def _loss_cdf_body(t_hbm, lt_hbm, lu_hbm, out_hbm,
                   lt_v, lu_v, et_v, a_v, b_v, t_v, u_v, sem, lsem):
    nc = 2
    wid = lax.axis_index("s") * nc + lax.axis_index("c")
    r0 = 8 * (wid // 16)
    c0 = 256 * (wid % 16)

    lt_cp = pltpu.async_copy(lt_hbm, lt_v, lsem)
    lu_cp = pltpu.async_copy(lu_hbm, lu_v, lsem)
    t_cp = pltpu.async_copy(
        t_hbm.at[pl.ds(r0, 8), pl.ds(c0, 256)], t_v, sem)
    lt_cp.wait()
    lu_cp.wait()

    ex_t = [jnp.exp(lt_v[pl.ds(c * L, L)]) for c in range(N_CHUNKS)]
    ex_u = [jnp.exp(lu_v[pl.ds(c * L, L)]) for c in range(N_CHUNKS)]
    s_t = functools.reduce(lax.add, [jnp.sum(e) for e in ex_t])
    q_t = [e / s_t + 0.001 for e in ex_t]
    z_t = functools.reduce(lax.add, [jnp.sum(q) for q in q_t])
    q_u = [e + 0.001 for e in ex_u]
    z_u = functools.reduce(lax.add, [jnp.sum(q) for q in q_u])

    carry_t = jnp.float32(0.0)
    carry_u = jnp.float32(0.0)
    carries_t = []
    for c in range(N_CHUNKS):
        w_t = q_t[c] / z_t
        w_u = q_u[c] / z_u
        b = w_u / w_t
        incl_t = plsc.cumsum(w_t)
        incl_u = plsc.cumsum(w_u)
        e_t = incl_t - w_t + carry_t
        e_u = incl_u - w_u + carry_u
        b_v[pl.ds(17 * c, L)] = b
        et_v[pl.ds(17 * c, L)] = e_t
        a_v[pl.ds(17 * c, L)] = e_u - b * e_t
        carry_t = carry_t + jnp.squeeze(lax.slice(incl_t, (L - 1,), (L,)))
        carry_u = carry_u + jnp.squeeze(lax.slice(incl_u, (L - 1,), (L,)))
        carries_t.append(carry_t)

    bc = [jnp.broadcast_to(carries_t[c], (L,)) for c in range(7)]
    b16, b32, b48, b64, b80, b96, b112 = bc

    t_cp.wait()

    def _process(off):
        r = jax.lax.shift_right_logical(off, 8)
        col = jax.lax.bitwise_and(off, 255)
        tv = t_v[r, pl.ds(col, L)]
        m64 = b64 <= tv
        v32 = jnp.where(m64, b96, b32)
        m32 = v32 <= tv
        v16a = jnp.where(m32, b48, b16)
        v16b = jnp.where(m32, b112, b80)
        m16 = jnp.where(m64, v16b, v16a) <= tv
        idx = (jnp.where(m64, 64, 0) + jnp.where(m32, 32, 0)
               + jnp.where(m16, 16, 0))
        for s in (8, 4, 2, 1):
            cand = idx + s
            skew = cand + jax.lax.shift_right_logical(cand, 4)
            ev = plsc.load_gather(et_v, [skew])
            idx = jnp.where(ev <= tv, cand, idx)
        skew = idx + jax.lax.shift_right_logical(idx, 4)
        av = plsc.load_gather(a_v, [skew])
        bv = plsc.load_gather(b_v, [skew])
        u_v[r, pl.ds(col, L)] = av + bv * tv

    plsc.parallel_loop(0, 2048, L, unroll=2)(_process)
    pltpu.sync_copy(u_v, out_hbm.at[pl.ds(r0, 8), pl.ds(c0, 256)])


def kernel(t, l_t, l_u):
    b, s = t.shape
    mesh = plsc.VectorSubcoreMesh(core_axis_name="c", subcore_axis_name="s")
    run = pl.kernel(
        _loss_cdf_body,
        mesh=mesh,
        compiler_params=pltpu.CompilerParams(
            needs_layout_passes=False, use_tc_tiling_on_sc=True),
        out_type=jax.ShapeDtypeStruct((b, s), jnp.float32),
        scratch_types=[
            pltpu.VMEM((N_BINS,), jnp.float32),
            pltpu.VMEM((N_BINS,), jnp.float32),
            pltpu.VMEM((136,), jnp.float32),
            pltpu.VMEM((136,), jnp.float32),
            pltpu.VMEM((136,), jnp.float32),
            pltpu.VMEM((8, 256), jnp.float32),
            pltpu.VMEM((8, 256), jnp.float32),
            pltpu.SemaphoreType.DMA,
            pltpu.SemaphoreType.DMA,
        ],
    )
    return run(t, l_t, l_u)

# --- scband reference (transcript-rebuilt; emitter-appended) ---
"""Pipeline reference for scband-loss-cdf-14242111553592 (READ-ONLY COPY).

The authoritative reference and input builder live on the scoring server;
editing this copy changes nothing except your own understanding.
"""

import jax, jax.numpy as jnp
import numpy as np

N_BINS = 128
BSZ = 16
SEQ = 4096

def setup_inputs(seed: int = 0) -> dict:
    key = jax.random.key(seed)
    k1, k2, k3 = jax.random.split(key, 3)
    t = jax.random.uniform(k1, (BSZ, SEQ), dtype=jnp.float32)
    base = -float(np.log(N_BINS))
    l_t = base + 0.1 * jax.random.normal(k2, (N_BINS,), dtype=jnp.float32)
    l_u = base + 0.1 * jax.random.normal(k3, (N_BINS,), dtype=jnp.float32)
    return {"t": t, "l_t": l_t, "l_u": l_u}

def reference(t, l_t, l_u):
    # LossCDF.forward with u=None, normalized=True, t_min=0, t_max=1
    b, s = t.shape
    nb = l_t.shape[0]
    l_t_e = jnp.broadcast_to(l_t, (b, s, nb))
    l_u_e = jnp.broadcast_to(l_u, (b, s, nb))
    w_t = jax.nn.softmax(l_t_e, axis=-1)
    w_t = w_t + 0.001
    w_t = w_t / jnp.sum(w_t, axis=-1, keepdims=True)
    w_u = jnp.exp(l_u_e)
    w_u = w_u + 0.001
    w_u = w_u / jnp.sum(w_u, axis=-1, keepdims=True)
    zeros = jnp.zeros((b, s, 1), dtype=w_t.dtype)
    e_t = jnp.concatenate([zeros, jnp.cumsum(w_t, axis=-1)], axis=-1)
    e_u = jnp.concatenate([zeros, jnp.cumsum(w_u, axis=-1)], axis=-1)
    t_prime = t  # (t - 0) / (1 - 0)
    t_idx = jnp.sum((e_t <= t_prime[:, :, None]).astype(jnp.int32), axis=-1) - 1
    t_idx = jnp.clip(t_idx, 0, nb - 1)
    idx = t_idx[:, :, None]
    def g(e, i):
        return jnp.take_along_axis(e, i, axis=-1)[..., 0]
    e_u0 = g(e_u, idx)
    e_u1 = g(e_u, idx + 1)
    e_t0 = g(e_t, idx)
    e_t1 = g(e_t, idx + 1)
    u = e_u0 + (e_u1 - e_u0) * ((t_prime - e_t0) / (e_t1 - e_t0))
    return u.reshape(t.shape)

if __name__ == "__main__":
    import jax
    _d = setup_inputs()
    print(jax.jit(kernel)(*tuple(_d.values())))

</pallas_src>

<mosaic_0001>
#map = affine_map<(d0, d1) -> (0, 0)>
#map1 = affine_map<(d0, d1) -> (0)>
module attributes {stable_mosaic.version = 14 : i64} {
  func.func @_loss_cdf_body(%arg0: i32, %arg1: i32, %arg2: memref<16x4096xf32, #tpu.memory_space<hbm>>, %arg3: memref<128xf32, #tpu.memory_space<hbm>>, %arg4: memref<128xf32, #tpu.memory_space<hbm>>, %arg5: memref<16x4096xf32, #tpu.memory_space<hbm>>, %arg6: memref<128xf32, #tpu.memory_space<vmem>>, %arg7: memref<128xf32, #tpu.memory_space<vmem>>, %arg8: memref<136xf32, #tpu.memory_space<vmem>>, %arg9: memref<136xf32, #tpu.memory_space<vmem>>, %arg10: memref<136xf32, #tpu.memory_space<vmem>>, %arg11: memref<8x256xf32, #tpu.memory_space<vmem>>, %arg12: memref<8x256xf32, #tpu.memory_space<vmem>>, %arg13: memref<!tpu.dma_semaphore, #tpu.memory_space<semaphore_mem>>, %arg14: memref<!tpu.dma_semaphore, #tpu.memory_space<semaphore_mem>>) attributes {dimension_semantics = [#tpu.dimension_semantics<core_parallel>, #tpu.dimension_semantics<subcore_parallel>], iteration_bounds = array<i64: 2, 16>, scalar_prefetch = 0 : i64, scratch_operands = 9 : i64, tpu.core_type = #tpu.core_type<sc_vector_subcore>, window_params = [{transform_indices = #map}, {transform_indices = #map1}, {transform_indices = #map1}, {transform_indices = #map}]} {
    %mul3A = arith.constant 2 : i32
    %mul3A_0 = arith.muli %arg1, %mul3A : i32
    %add3A = arith.addi %mul3A_0, %arg0 : i32
    %jit3A = arith.constant 16 : i32
    %div3A = arith.divsi %add3A, %jit3A : i32
    %sign3A = arith.constant 0 : i32
    %sign3A_1 = arith.cmpi sgt, %add3A, %sign3A : i32
    %sign3A_2 = arith.extui %sign3A_1 : i1 to i32
    %sign3A_3 = arith.constant 0 : i32
    %sign3A_4 = arith.cmpi slt, %add3A, %sign3A_3 : i32
    %sign3A_5 = arith.extui %sign3A_4 : i1 to i32
    %sign3A_6 = arith.subi %sign3A_2, %sign3A_5 : i32
    %sign3A_7 = arith.constant 0 : i32
    %sign3A_8 = arith.cmpi sgt, %jit3A, %sign3A_7 : i32
    %sign3A_9 = arith.extui %sign3A_8 : i1 to i32
    %sign3A_10 = arith.constant 0 : i32
    %sign3A_11 = arith.cmpi slt, %jit3A, %sign3A_10 : i32
    %sign3A_12 = arith.extui %sign3A_11 : i1 to i32
    %sign3A_13 = arith.subi %sign3A_9, %sign3A_12 : i32
    %ne3A = arith.cmpi ne, %sign3A_6, %sign3A_13 : i32
    %rem3A = arith.remsi %add3A, %jit3A : i32
    %ne3A_14 = arith.constant 0 : i32
    %ne3A_15 = arith.cmpi ne, %rem3A, %ne3A_14 : i32
    %and3A = arith.andi %ne3A, %ne3A_15 : i1
    %sub3A = arith.constant 1 : i32
    %sub3A_16 = arith.subi %div3A, %sub3A : i32
    %select_n3A = arith.select %and3A, %sub3A_16, %div3A : i32
    %mul3A_17 = arith.constant 8 : i32
    %mul3A_18 = arith.muli %mul3A_17, %select_n3A : i32
    %jit3A_19 = arith.constant 16 : i32
    %eq3A = arith.constant 0 : i32
    %eq3A_20 = arith.cmpi eq, %jit3A_19, %eq3A : i32
    %jit3A_21 = arith.constant 1 : i32
    %select_n3A_22 = arith.select %eq3A_20, %jit3A_21, %jit3A_19 : i32
    %rem3A_23 = arith.remsi %add3A, %select_n3A_22 : i32
    %ne3A_24 = arith.constant 0 : i32
    %ne3A_25 = arith.cmpi ne, %rem3A_23, %ne3A_24 : i32
    %lt3A = arith.constant 0 : i32
    %lt3A_26 = arith.cmpi slt, %rem3A_23, %lt3A : i32
    %lt3A_27 = arith.constant 0 : i32
    %lt3A_28 = arith.cmpi slt, %select_n3A_22, %lt3A_27 : i32
    %ne3A_29 = arith.xori %lt3A_26, %lt3A_28 : i1
    %and3A_30 = arith.andi %ne3A_29, %ne3A_25 : i1
    %add3A_31 = arith.addi %rem3A_23, %select_n3A_22 : i32
    %select_n3A_32 = arith.select %and3A_30, %add3A_31, %rem3A_23 : i32
    %mul3A_33 = arith.constant 256 : i32
    %mul3A_34 = arith.muli %mul3A_33, %select_n3A_32 : i32
    tpu.enqueue_dma source(%arg3 : memref<128xf32, #tpu.memory_space<hbm>>) target(%arg6 : memref<128xf32, #tpu.memory_space<vmem>>) target_semaphore(%arg14 : memref<!tpu.dma_semaphore, #tpu.memory_space<semaphore_mem>>)
    tpu.enqueue_dma source(%arg4 : memref<128xf32, #tpu.memory_space<hbm>>) target(%arg7 : memref<128xf32, #tpu.memory_space<vmem>>) target_semaphore(%arg14 : memref<!tpu.dma_semaphore, #tpu.memory_space<semaphore_mem>>)
    %dma_start3A = tpu.memref_slice %arg2[%mul3A_18, %mul3A_34] : memref<16x4096xf32, #tpu.memory_space<hbm>> -> memref<8x256xf32, #tpu.memory_space<hbm>>
    %dma_start3A_35 = tpu.memref_slice %arg2[%mul3A_18, %mul3A_34] : memref<16x4096xf32, #tpu.memory_space<hbm>> -> memref<8x256xf32, #tpu.memory_space<hbm>>
    tpu.enqueue_dma source(%dma_start3A_35 : memref<8x256xf32, #tpu.memory_space<hbm>>) target(%arg11 : memref<8x256xf32, #tpu.memory_space<vmem>>) target_semaphore(%arg13 : memref<!tpu.dma_semaphore, #tpu.memory_space<semaphore_mem>>)
    tpu.wait_dma2 semaphore(%arg14 : memref<!tpu.dma_semaphore, #tpu.memory_space<semaphore_mem>>) src(%arg3 : memref<128xf32, #tpu.memory_space<hbm>>) dst(%arg6 : memref<128xf32, #tpu.memory_space<vmem>>)
    tpu.wait_dma2 semaphore(%arg14 : memref<!tpu.dma_semaphore, #tpu.memory_space<semaphore_mem>>) src(%arg4 : memref<128xf32, #tpu.memory_space<hbm>>) dst(%arg7 : memref<128xf32, #tpu.memory_space<vmem>>)
    %get3A = arith.constant 0 : index
    %get3A_36 = tpu.vector_load %arg6[%get3A] {strides = array<i32>} : memref<128xf32, #tpu.memory_space<vmem>>, vector<16xf32>,
    %exp3A = math.exp %get3A_36 : vector<16xf32>
    %get3A_37 = arith.constant 16 : index
    %get3A_38 = tpu.vector_load %arg6[%get3A_37] {strides = array<i32>} : memref<128xf32, #tpu.memory_space<vmem>>, vector<16xf32>,
    %exp3A_39 = math.exp %get3A_38 : vector<16xf32>
    %get3A_40 = arith.constant 32 : index
    %get3A_41 = tpu.vector_load %arg6[%get3A_40] {strides = array<i32>} : memref<128xf32, #tpu.memory_space<vmem>>, vector<16xf32>,
    %exp3A_42 = math.exp %get3A_41 : vector<16xf32>
    %get3A_43 = arith.constant 48 : index
    %get3A_44 = tpu.vector_load %arg6[%get3A_43] {strides = array<i32>} : memref<128xf32, #tpu.memory_space<vmem>>, vector<16xf32>,
    %exp3A_45 = math.exp %get3A_44 : vector<16xf32>
    %get3A_46 = arith.constant 64 : index
    %get3A_47 = tpu.vector_load %arg6[%get3A_46] {strides = array<i32>} : memref<128xf32, #tpu.memory_space<vmem>>, vector<16xf32>,
    %exp3A_48 = math.exp %get3A_47 : vector<16xf32>
    %get3A_49 = arith.constant 80 : index
    %get3A_50 = tpu.vector_load %arg6[%get3A_49] {strides = array<i32>} : memref<128xf32, #tpu.memory_space<vmem>>, vector<16xf32>,
    %exp3A_51 = math.exp %get3A_50 : vector<16xf32>
    %get3A_52 = arith.constant 96 : index
    %get3A_53 = tpu.vector_load %arg6[%get3A_52] {strides = array<i32>} : memref<128xf32, #tpu.memory_space<vmem>>, vector<16xf32>,
    %exp3A_54 = math.exp %get3A_53 : vector<16xf32>
    %get3A_55 = arith.constant 112 : index
    %get3A_56 = tpu.vector_load %arg6[%get3A_55] {strides = array<i32>} : memref<128xf32, #tpu.memory_space<vmem>>, vector<16xf32>,
    %exp3A_57 = math.exp %get3A_56 : vector<16xf32>
    %get3A_58 = arith.constant 0 : index
    %get3A_59 = tpu.vector_load %arg7[%get3A_58] {strides = array<i32>} : memref<128xf32, #tpu.memory_space<vmem>>, vector<16xf32>,
    %exp3A_60 = math.exp %get3A_59 : vector<16xf32>
    %get3A_61 = arith.constant 16 : index
    %get3A_62 = tpu.vector_load %arg7[%get3A_61] {strides = array<i32>} : memref<128xf32, #tpu.memory_space<vmem>>, vector<16xf32>,
    %exp3A_63 = math.exp %get3A_62 : vector<16xf32>
    %get3A_64 = arith.constant 32 : index
    %get3A_65 = tpu.vector_load %arg7[%get3A_64] {strides = array<i32>} : memref<128xf32, #tpu.memory_space<vmem>>, vector<16xf32>,
    %exp3A_66 = math.exp %get3A_65 : vector<16xf32>
    %get3A_67 = arith.constant 48 : index
    %get3A_68 = tpu.vector_load %arg7[%get3A_67] {strides = array<i32>} : memref<128xf32, #tpu.memory_space<vmem>>, vector<16xf32>,
    %exp3A_69 = math.exp %get3A_68 : vector<16xf32>
    %get3A_70 = arith.constant 64 : index
    %get3A_71 = tpu.vector_load %arg7[%get3A_70] {strides = array<i32>} : memref<128xf32, #tpu.memory_space<vmem>>, vector<16xf32>,
    %exp3A_72 = math.exp %get3A_71 : vector<16xf32>
    %get3A_73 = arith.constant 80 : index
    %get3A_74 = tpu.vector_load %arg7[%get3A_73] {strides = array<i32>} : memref<128xf32, #tpu.memory_space<vmem>>, vector<16xf32>,
    %exp3A_75 = math.exp %get3A_74 : vector<16xf32>
    %get3A_76 = arith.constant 96 : index
    %get3A_77 = tpu.vector_load %arg7[%get3A_76] {strides = array<i32>} : memref<128xf32, #tpu.memory_space<vmem>>, vector<16xf32>,
    %exp3A_78 = math.exp %get3A_77 : vector<16xf32>
    %get3A_79 = arith.constant 112 : index
    %get3A_80 = tpu.vector_load %arg7[%get3A_79] {strides = array<i32>} : memref<128xf32, #tpu.memory_space<vmem>>, vector<16xf32>,
    %exp3A_81 = math.exp %get3A_80 : vector<16xf32>
    %reduce_sum3A = arith.constant true
    %reduce_sum3A_82 = vector.broadcast %reduce_sum3A : i1 to vector<16xi1>
    %reduce_sum3A_83 = tpu.scan <sum>, %exp3A masked %reduce_sum3A_82 : vector<16xf32>, vector<16xi1> -> vector<16xf32>
    %reduce_sum3A_84 = vector.extract %reduce_sum3A_83[15] : f32 from vector<16xf32>
    %reduce_sum3A_85 = arith.constant true
    %reduce_sum3A_86 = vector.broadcast %reduce_sum3A_85 : i1 to vector<16xi1>
    %reduce_sum3A_87 = tpu.scan <sum>, %exp3A_39 masked %reduce_sum3A_86 : vector<16xf32>, vector<16xi1> -> vector<16xf32>
    %reduce_sum3A_88 = vector.extract %reduce_sum3A_87[15] : f32 from vector<16xf32>
    %reduce_sum3A_89 = arith.constant true
    %reduce_sum3A_90 = vector.broadcast %reduce_sum3A_89 : i1 to vector<16xi1>
    %reduce_sum3A_91 = tpu.scan <sum>, %exp3A_42 masked %reduce_sum3A_90 : vector<16xf32>, vector<16xi1> -> vector<16xf32>
    %reduce_sum3A_92 = vector.extract %reduce_sum3A_91[15] : f32 from vector<16xf32>
    %reduce_sum3A_93 = arith.constant true
    %reduce_sum3A_94 = vector.broadcast %reduce_sum3A_93 : i1 to vector<16xi1>
    %reduce_sum3A_95 = tpu.scan <sum>, %exp3A_45 masked %reduce_sum3A_94 : vector<16xf32>, vector<16xi1> -> vector<16xf32>
    %reduce_sum3A_96 = vector.extract %reduce_sum3A_95[15] : f32 from vector<16xf32>
    %reduce_sum3A_97 = arith.constant true
    %reduce_sum3A_98 = vector.broadcast %reduce_sum3A_97 : i1 to vector<16xi1>
    %reduce_sum3A_99 = tpu.scan <sum>, %exp3A_48 masked %reduce_sum3A_98 : vector<16xf32>, vector<16xi1> -> vector<16xf32>
    %reduce_sum3A_100 = vector.extract %reduce_sum3A_99[15] : f32 from vector<16xf32>
    %reduce_sum3A_101 = arith.constant true
    %reduce_sum3A_102 = vector.broadcast %reduce_sum3A_101 : i1 to vector<16xi1>
    %reduce_sum3A_103 = tpu.scan <sum>, %exp3A_51 masked %reduce_sum3A_102 : vector<16xf32>, vector<16xi1> -> vector<16xf32>
    %reduce_sum3A_104 = vector.extract %reduce_sum3A_103[15] : f32 from vector<16xf32>
    %reduce_sum3A_105 = arith.constant true
    %reduce_sum3A_106 = vector.broadcast %reduce_sum3A_105 : i1 to vector<16xi1>
    %reduce_sum3A_107 = tpu.scan <sum>, %exp3A_54 masked %reduce_sum3A_106 : vector<16xf32>, vector<16xi1> -> vector<16xf32>
    %reduce_sum3A_108 = vector.extract %reduce_sum3A_107[15] : f32 from vector<16xf32>
    %reduce_sum3A_109 = arith.constant true
    %reduce_sum3A_110 = vector.broadcast %reduce_sum3A_109 : i1 to vector<16xi1>
    %reduce_sum3A_111 = tpu.scan <sum>, %exp3A_57 masked %reduce_sum3A_110 : vector<16xf32>, vector<16xi1> -> vector<16xf32>
    %reduce_sum3A_112 = vector.extract %reduce_sum3A_111[15] : f32 from vector<16xf32>
    %add3A_113 = arith.addf %reduce_sum3A_84, %reduce_sum3A_88 : f32
    %add3A_114 = arith.addf %add3A_113, %reduce_sum3A_92 : f32
    %add3A_115 = arith.addf %add3A_114, %reduce_sum3A_96 : f32
    %add3A_116 = arith.addf %add3A_115, %reduce_sum3A_100 : f32
    %add3A_117 = arith.addf %add3A_116, %reduce_sum3A_104 : f32
    %add3A_118 = arith.addf %add3A_117, %reduce_sum3A_108 : f32
    %add3A_119 = arith.addf %add3A_118, %reduce_sum3A_112 : f32
    %div3A_120 = vector.broadcast %add3A_119 : f32 to vector<16xf32>
    %div3A_121 = arith.divf %exp3A, %div3A_120 : vector<16xf32>
    %add3A_122 = arith.constant 1.000000e-03 : f32
    %add3A_123 = vector.broadcast %add3A_122 : f32 to vector<16xf32>
    %add3A_124 = arith.addf %div3A_121, %add3A_123 : vector<16xf32>
    %div3A_125 = vector.broadcast %add3A_119 : f32 to vector<16xf32>
    %div3A_126 = arith.divf %exp3A_39, %div3A_125 : vector<16xf32>
    %add3A_127 = arith.constant 1.000000e-03 : f32
    %add3A_128 = vector.broadcast %add3A_127 : f32 to vector<16xf32>
    %add3A_129 = arith.addf %div3A_126, %add3A_128 : vector<16xf32>
    %div3A_130 = vector.broadcast %add3A_119 : f32 to vector<16xf32>
    %div3A_131 = arith.divf %exp3A_42, %div3A_130 : vector<16xf32>
    %add3A_132 = arith.constant 1.000000e-03 : f32
    %add3A_133 = vector.broadcast %add3A_132 : f32 to vector<16xf32>
    %add3A_134 = arith.addf %div3A_131, %add3A_133 : vector<16xf32>
    %div3A_135 = vector.broadcast %add3A_119 : f32 to vector<16xf32>
    %div3A_136 = arith.divf %exp3A_45, %div3A_135 : vector<16xf32>
    %add3A_137 = arith.constant 1.000000e-03 : f32
    %add3A_138 = vector.broadcast %add3A_137 : f32 to vector<16xf32>
    %add3A_139 = arith.addf %div3A_136, %add3A_138 : vector<16xf32>
    %div3A_140 = vector.broadcast %add3A_119 : f32 to vector<16xf32>
    %div3A_141 = arith.divf %exp3A_48, %div3A_140 : vector<16xf32>
    %add3A_142 = arith.constant 1.000000e-03 : f32
    %add3A_143 = vector.broadcast %add3A_142 : f32 to vector<16xf32>
    %add3A_144 = arith.addf %div3A_141, %add3A_143 : vector<16xf32>
    %div3A_145 = vector.broadcast %add3A_119 : f32 to vector<16xf32>
    %div3A_146 = arith.divf %exp3A_51, %div3A_145 : vector<16xf32>
    %add3A_147 = arith.constant 1.000000e-03 : f32
    %add3A_148 = vector.broadcast %add3A_147 : f32 to vector<16xf32>
    %add3A_149 = arith.addf %div3A_146, %add3A_148 : vector<16xf32>
    %div3A_150 = vector.broadcast %add3A_119 : f32 to vector<16xf32>
    %div3A_151 = arith.divf %exp3A_54, %div3A_150 : vector<16xf32>
    %add3A_152 = arith.constant 1.000000e-03 : f32
    %add3A_153 = vector.broadcast %add3A_152 : f32 to vector<16xf32>
    %add3A_154 = arith.addf %div3A_151, %add3A_153 : vector<16xf32>
    %div3A_155 = vector.broadcast %add3A_119 : f32 to vector<16xf32>
    %div3A_156 = arith.divf %exp3A_57, %div3A_155 : vector<16xf32>
    %add3A_157 = arith.constant 1.000000e-03 : f32
    %add3A_158 = vector.broadcast %add3A_157 : f32 to vector<16xf32>
    %add3A_159 = arith.addf %div3A_156, %add3A_158 : vector<16xf32>
    %reduce_sum3A_160 = arith.constant true
    %reduce_sum3A_161 = vector.broadcast %reduce_sum3A_160 : i1 to vector<16xi1>
    %reduce_sum3A_162 = tpu.scan <sum>, %add3A_124 masked %reduce_sum3A_161 : vector<16xf32>, vector<16xi1> -> vector<16xf32>
    %reduce_sum3A_163 = vector.extract %reduce_sum3A_162[15] : f32 from vector<16xf32>
    %reduce_sum3A_164 = arith.constant true
    %reduce_sum3A_165 = vector.broadcast %reduce_sum3A_164 : i1 to vector<16xi1>
    %reduce_sum3A_166 = tpu.scan <sum>, %add3A_129 masked %reduce_sum3A_165 : vector<16xf32>, vector<16xi1> -> vector<16xf32>
    %reduce_sum3A_167 = vector.extract %reduce_sum3A_166[15] : f32 from vector<16xf32>
    %reduce_sum3A_168 = arith.constant true
    %reduce_sum3A_169 = vector.broadcast %reduce_sum3A_168 : i1 to vector<16xi1>
    %reduce_sum3A_170 = tpu.scan <sum>, %add3A_134 masked %reduce_sum3A_169 : vector<16xf32>, vector<16xi1> -> vector<16xf32>
    %reduce_sum3A_171 = vector.extract %reduce_sum3A_170[15] : f32 from vector<16xf32>
    %reduce_sum3A_172 = arith.constant true
    %reduce_sum3A_173 = vector.broadcast %reduce_sum3A_172 : i1 to vector<16xi1>
    %reduce_sum3A_174 = tpu.scan <sum>, %add3A_139 masked %reduce_sum3A_173 : vector<16xf32>, vector<16xi1> -> vector<16xf32>
    %reduce_sum3A_175 = vector.extract %reduce_sum3A_174[15] : f32 from vector<16xf32>
    %reduce_sum3A_176 = arith.constant true
    %reduce_sum3A_177 = vector.broadcast %reduce_sum3A_176 : i1 to vector<16xi1>
    %reduce_sum3A_178 = tpu.scan <sum>, %add3A_144 masked %reduce_sum3A_177 : vector<16xf32>, vector<16xi1> -> vector<16xf32>
    %reduce_sum3A_179 = vector.extract %reduce_sum3A_178[15] : f32 from vector<16xf32>
    %reduce_sum3A_180 = arith.constant true
    %reduce_sum3A_181 = vector.broadcast %reduce_sum3A_180 : i1 to vector<16xi1>
    %reduce_sum3A_182 = tpu.scan <sum>, %add3A_149 masked %reduce_sum3A_181 : vector<16xf32>, vector<16xi1> -> vector<16xf32>
    %reduce_sum3A_183 = vector.extract %reduce_sum3A_182[15] : f32 from vector<16xf32>
    %reduce_sum3A_184 = arith.constant true
    %reduce_sum3A_185 = vector.broadcast %reduce_sum3A_184 : i1 to vector<16xi1>
    %reduce_sum3A_186 = tpu.scan <sum>, %add3A_154 masked %reduce_sum3A_185 : vector<16xf32>, vector<16xi1> -> vector<16xf32>
    %reduce_sum3A_187 = vector.extract %reduce_sum3A_186[15] : f32 from vector<16xf32>
    %reduce_sum3A_188 = arith.constant true
    %reduce_sum3A_189 = vector.broadcast %reduce_sum3A_188 : i1 to vector<16xi1>
    %reduce_sum3A_190 = tpu.scan <sum>, %add3A_159 masked %reduce_sum3A_189 : vector<16xf32>, vector<16xi1> -> vector<16xf32>
    %reduce_sum3A_191 = vector.extract %reduce_sum3A_190[15] : f32 from vector<16xf32>
    %add3A_192 = arith.addf %reduce_sum3A_163, %reduce_sum3A_167 : f32
    %add3A_193 = arith.addf %add3A_192, %reduce_sum3A_171 : f32
    %add3A_194 = arith.addf %add3A_193, %reduce_sum3A_175 : f32
    %add3A_195 = arith.addf %add3A_194, %reduce_sum3A_179 : f32
    %add3A_196 = arith.addf %add3A_195, %reduce_sum3A_183 : f32
    %add3A_197 = arith.addf %add3A_196, %reduce_sum3A_187 : f32
    %add3A_198 = arith.addf %add3A_197, %reduce_sum3A_191 : f32
    %add3A_199 = arith.constant 1.000000e-03 : f32
    %add3A_200 = vector.broadcast %add3A_199 : f32 to vector<16xf32>
    %add3A_201 = arith.addf %exp3A_60, %add3A_200 : vector<16xf32>
    %add3A_202 = arith.constant 1.000000e-03 : f32
    %add3A_203 = vector.broadcast %add3A_202 : f32 to vector<16xf32>
    %add3A_204 = arith.addf %exp3A_63, %add3A_203 : vector<16xf32>
    %add3A_205 = arith.constant 1.000000e-03 : f32
    %add3A_206 = vector.broadcast %add3A_205 : f32 to vector<16xf32>
    %add3A_207 = arith.addf %exp3A_66, %add3A_206 : vector<16xf32>
    %add3A_208 = arith.constant 1.000000e-03 : f32
    %add3A_209 = vector.broadcast %add3A_208 : f32 to vector<16xf32>
    %add3A_210 = arith.addf %exp3A_69, %add3A_209 : vector<16xf32>
    %add3A_211 = arith.constant 1.000000e-03 : f32
    %add3A_212 = vector.broadcast %add3A_211 : f32 to vector<16xf32>
    %add3A_213 = arith.addf %exp3A_72, %add3A_212 : vector<16xf32>
    %add3A_214 = arith.constant 1.000000e-03 : f32
    %add3A_215 = vector.broadcast %add3A_214 : f32 to vector<16xf32>
    %add3A_216 = arith.addf %exp3A_75, %add3A_215 : vector<16xf32>
    %add3A_217 = arith.constant 1.000000e-03 : f32
    %add3A_218 = vector.broadcast %add3A_217 : f32 to vector<16xf32>
    %add3A_219 = arith.addf %exp3A_78, %add3A_218 : vector<16xf32>
    %add3A_220 = arith.constant 1.000000e-03 : f32
    %add3A_221 = vector.broadcast %add3A_220 : f32 to vector<16xf32>
    %add3A_222 = arith.addf %exp3A_81, %add3A_221 : vector<16xf32>
    %reduce_sum3A_223 = arith.constant true
    %reduce_sum3A_224 = vector.broadcast %reduce_sum3A_223 : i1 to vector<16xi1>
    %reduce_sum3A_225 = tpu.scan <sum>, %add3A_201 masked %reduce_sum3A_224 : vector<16xf32>, vector<16xi1> -> vector<16xf32>
    %reduce_sum3A_226 = vector.extract %reduce_sum3A_225[15] : f32 from vector<16xf32>
    %reduce_sum3A_227 = arith.constant true
    %reduce_sum3A_228 = vector.broadcast %reduce_sum3A_227 : i1 to vector<16xi1>
    %reduce_sum3A_229 = tpu.scan <sum>, %add3A_204 masked %reduce_sum3A_228 : vector<16xf32>, vector<16xi1> -> vector<16xf32>
    %reduce_sum3A_230 = vector.extract %reduce_sum3A_229[15] : f32 from vector<16xf32>
    %reduce_sum3A_231 = arith.constant true
    %reduce_sum3A_232 = vector.broadcast %reduce_sum3A_231 : i1 to vector<16xi1>
    %reduce_sum3A_233 = tpu.scan <sum>, %add3A_207 masked %reduce_sum3A_232 : vector<16xf32>, vector<16xi1> -> vector<16xf32>
    %reduce_sum3A_234 = vector.extract %reduce_sum3A_233[15] : f32 from vector<16xf32>
    %reduce_sum3A_235 = arith.constant true
    %reduce_sum3A_236 = vector.broadcast %reduce_sum3A_235 : i1 to vector<16xi1>
    %reduce_sum3A_237 = tpu.scan <sum>, %add3A_210 masked %reduce_sum3A_236 : vector<16xf32>, vector<16xi1> -> vector<16xf32>
    %reduce_sum3A_238 = vector.extract %reduce_sum3A_237[15] : f32 from vector<16xf32>
    %reduce_sum3A_239 = arith.constant true
    %reduce_sum3A_240 = vector.broadcast %reduce_sum3A_239 : i1 to vector<16xi1>
    %reduce_sum3A_241 = tpu.scan <sum>, %add3A_213 masked %reduce_sum3A_240 : vector<16xf32>, vector<16xi1> -> vector<16xf32>
    %reduce_sum3A_242 = vector.extract %reduce_sum3A_241[15] : f32 from vector<16xf32>
    %reduce_sum3A_243 = arith.constant true
    %reduce_sum3A_244 = vector.broadcast %reduce_sum3A_243 : i1 to vector<16xi1>
    %reduce_sum3A_245 = tpu.scan <sum>, %add3A_216 masked %reduce_sum3A_244 : vector<16xf32>, vector<16xi1> -> vector<16xf32>
    %reduce_sum3A_246 = vector.extract %reduce_sum3A_245[15] : f32 from vector<16xf32>
    %reduce_sum3A_247 = arith.constant true
    %reduce_sum3A_248 = vector.broadcast %reduce_sum3A_247 : i1 to vector<16xi1>
    %reduce_sum3A_249 = tpu.scan <sum>, %add3A_219 masked %reduce_sum3A_248 : vector<16xf32>, vector<16xi1> -> vector<16xf32>
    %reduce_sum3A_250 = vector.extract %reduce_sum3A_249[15] : f32 from vector<16xf32>
    %reduce_sum3A_251 = arith.constant true
    %reduce_sum3A_252 = vector.broadcast %reduce_sum3A_251 : i1 to vector<16xi1>
    %reduce_sum3A_253 = tpu.scan <sum>, %add3A_222 masked %reduce_sum3A_252 : vector<16xf32>, vector<16xi1> -> vector<16xf32>
    %reduce_sum3A_254 = vector.extract %reduce_sum3A_253[15] : f32 from vector<16xf32>
    %add3A_255 = arith.addf %reduce_sum3A_226, %reduce_sum3A_230 : f32
    %add3A_256 = arith.addf %add3A_255, %reduce_sum3A_234 : f32
    %add3A_257 = arith.addf %add3A_256, %reduce_sum3A_238 : f32
    %add3A_258 = arith.addf %add3A_257, %reduce_sum3A_242 : f32
    %add3A_259 = arith.addf %add3A_258, %reduce_sum3A_246 : f32
    %add3A_260 = arith.addf %add3A_259, %reduce_sum3A_250 : f32
    %add3A_261 = arith.addf %add3A_260, %reduce_sum3A_254 : f32
    %div3A_262 = vector.broadcast %add3A_198 : f32 to vector<16xf32>
    %div3A_263 = arith.divf %add3A_124, %div3A_262 : vector<16xf32>
    %div3A_264 = vector.broadcast %add3A_261 : f32 to vector<16xf32>
    %div3A_265 = arith.divf %add3A_201, %div3A_264 : vector<16xf32>
    %div3A_266 = arith.divf %div3A_265, %div3A_263 : vector<16xf32>
    %broadcast_in_dim3A = arith.constant true
    %broadcast_in_dim3A_267 = vector.broadcast %broadcast_in_dim3A : i1 to vector<16xi1>
    %masked_cumsum3A = tpu.scan <sum>, %div3A_263 masked %broadcast_in_dim3A_267 : vector<16xf32>, vector<16xi1> -> vector<16xf32>
    %broadcast_in_dim3A_268 = arith.constant true
    %broadcast_in_dim3A_269 = vector.broadcast %broadcast_in_dim3A_268 : i1 to vector<16xi1>
    %masked_cumsum3A_270 = tpu.scan <sum>, %div3A_265 masked %broadcast_in_dim3A_269 : vector<16xf32>, vector<16xi1> -> vector<16xf32>
    %sub3A_271 = arith.subf %masked_cumsum3A, %div3A_263 : vector<16xf32>
    %add3A_272 = arith.constant 0.000000e+00 : f32
    %add3A_273 = vector.broadcast %add3A_272 : f32 to vector<16xf32>
    %add3A_274 = arith.addf %sub3A_271, %add3A_273 : vector<16xf32>
    %sub3A_275 = arith.subf %masked_cumsum3A_270, %div3A_265 : vector<16xf32>
    %add3A_276 = arith.constant 0.000000e+00 : f32
    %add3A_277 = vector.broadcast %add3A_276 : f32 to vector<16xf32>
    %add3A_278 = arith.addf %sub3A_275, %add3A_277 : vector<16xf32>
    %swap3A = arith.constant 0 : index
    %swap3A_279 = tpu.vector_load %arg10[%swap3A] {strides = array<i32>} : memref<136xf32, #tpu.memory_space<vmem>>, vector<16xf32>,
    tpu.vector_store %arg10[%swap3A], %div3A_266 {strides = array<i32>} : memref<136xf32, #tpu.memory_space<vmem>>, vector<16xf32>,
    %swap3A_280 = arith.constant 0 : index
    %swap3A_281 = tpu.vector_load %arg8[%swap3A_280] {strides = array<i32>} : memref<136xf32, #tpu.memory_space<vmem>>, vector<16xf32>,
    tpu.vector_store %arg8[%swap3A_280], %add3A_274 {strides = array<i32>} : memref<136xf32, #tpu.memory_space<vmem>>, vector<16xf32>,
    %mul3A_282 = arith.mulf %div3A_266, %add3A_274 : vector<16xf32>
    %sub3A_283 = arith.subf %add3A_278, %mul3A_282 : vector<16xf32>
    %swap3A_284 = arith.constant 0 : index
    %swap3A_285 = tpu.vector_load %arg9[%swap3A_284] {strides = array<i32>} : memref<136xf32, #tpu.memory_space<vmem>>, vector<16xf32>,
    tpu.vector_store %arg9[%swap3A_284], %sub3A_283 {strides = array<i32>} : memref<136xf32, #tpu.memory_space<vmem>>, vector<16xf32>,
    %slice3A = vector.extract_strided_slice %masked_cumsum3A {offsets = [15], sizes = [1], strides = [1]} : vector<16xf32> to vector<1xf32>
    %squeeze3A = vector.extract %slice3A[0] : f32 from vector<1xf32>
    %add3A_286 = arith.constant 0.000000e+00 : f32
    %add3A_287 = arith.addf %add3A_286, %squeeze3A : f32
    %slice3A_288 = vector.extract_strided_slice %masked_cumsum3A_270 {offsets = [15], sizes = [1], strides = [1]} : vector<16xf32> to vector<1xf32>
    %squeeze3A_289 = vector.extract %slice3A_288[0] : f32 from vector<1xf32>
    %add3A_290 = arith.constant 0.000000e+00 : f32
    %add3A_291 = arith.addf %add3A_290, %squeeze3A_289 : f32
    %div3A_292 = vector.broadcast %add3A_198 : f32 to vector<16xf32>
    %div3A_293 = arith.divf %add3A_129, %div3A_292 : vector<16xf32>
    %div3A_294 = vector.broadcast %add3A_261 : f32 to vector<16xf32>
    %div3A_295 = arith.divf %add3A_204, %div3A_294 : vector<16xf32>
    %div3A_296 = arith.divf %div3A_295, %div3A_293 : vector<16xf32>
    %broadcast_in_dim3A_297 = arith.constant true
    %broadcast_in_dim3A_298 = vector.broadcast %broadcast_in_dim3A_297 : i1 to vector<16xi1>
    %masked_cumsum3A_299 = tpu.scan <sum>, %div3A_293 masked %broadcast_in_dim3A_298 : vector<16xf32>, vector<16xi1> -> vector<16xf32>
    %broadcast_in_dim3A_300 = arith.constant true
    %broadcast_in_dim3A_301 = vector.broadcast %broadcast_in_dim3A_300 : i1 to vector<16xi1>
    %masked_cumsum3A_302 = tpu.scan <sum>, %div3A_295 masked %broadcast_in_dim3A_301 : vector<16xf32>, vector<16xi1> -> vector<16xf32>
    %sub3A_303 = arith.subf %masked_cumsum3A_299, %div3A_293 : vector<16xf32>
    %add3A_304 = vector.broadcast %add3A_287 : f32 to vector<16xf32>
    %add3A_305 = arith.addf %sub3A_303, %add3A_304 : vector<16xf32>
    %sub3A_306 = arith.subf %masked_cumsum3A_302, %div3A_295 : vector<16xf32>
    %add3A_307 = vector.broadcast %add3A_291 : f32 to vector<16xf32>
    %add3A_308 = arith.addf %sub3A_306, %add3A_307 : vector<16xf32>
    %swap3A_309 = arith.constant 17 : index
    %swap3A_310 = tpu.vector_load %arg10[%swap3A_309] {strides = array<i32>} : memref<136xf32, #tpu.memory_space<vmem>>, vector<16xf32>,
    tpu.vector_store %arg10[%swap3A_309], %div3A_296 {strides = array<i32>} : memref<136xf32, #tpu.memory_space<vmem>>, vector<16xf32>,
    %swap3A_311 = arith.constant 17 : index
    %swap3A_312 = tpu.vector_load %arg8[%swap3A_311] {strides = array<i32>} : memref<136xf32, #tpu.memory_space<vmem>>, vector<16xf32>,
    tpu.vector_store %arg8[%swap3A_311], %add3A_305 {strides = array<i32>} : memref<136xf32, #tpu.memory_space<vmem>>, vector<16xf32>,
    %mul3A_313 = arith.mulf %div3A_296, %add3A_305 : vector<16xf32>
    %sub3A_314 = arith.subf %add3A_308, %mul3A_313 : vector<16xf32>
    %swap3A_315 = arith.constant 17 : index
    %swap3A_316 = tpu.vector_load %arg9[%swap3A_315] {strides = array<i32>} : memref<136xf32, #tpu.memory_space<vmem>>, vector<16xf32>,
    tpu.vector_store %arg9[%swap3A_315], %sub3A_314 {strides = array<i32>} : memref<136xf32, #tpu.memory_space<vmem>>, vector<16xf32>,
    %slice3A_317 = vector.extract_strided_slice %masked_cumsum3A_299 {offsets = [15], sizes = [1], strides = [1]} : vector<16xf32> to vector<1xf32>
    %squeeze3A_318 = vector.extract %slice3A_317[0] : f32 from vector<1xf32>
    %add3A_319 = arith.addf %add3A_287, %squeeze3A_318 : f32
    %slice3A_320 = vector.extract_strided_slice %masked_cumsum3A_302 {offsets = [15], sizes = [1], strides = [1]} : vector<16xf32> to vector<1xf32>
    %squeeze3A_321 = vector.extract %slice3A_320[0] : f32 from vector<1xf32>
    %add3A_322 = arith.addf %add3A_291, %squeeze3A_321 : f32
    %div3A_323 = vector.broadcast %add3A_198 : f32 to vector<16xf32>
    %div3A_324 = arith.divf %add3A_134, %div3A_323 : vector<16xf32>
    %div3A_325 = vector.broadcast %add3A_261 : f32 to vector<16xf32>
    %div3A_326 = arith.divf %add3A_207, %div3A_325 : vector<16xf32>
    %div3A_327 = arith.divf %div3A_326, %div3A_324 : vector<16xf32>
    %broadcast_in_dim3A_328 = arith.constant true
    %broadcast_in_dim3A_329 = vector.broadcast %broadcast_in_dim3A_328 : i1 to vector<16xi1>
    %masked_cumsum3A_330 = tpu.scan <sum>, %div3A_324 masked %broadcast_in_dim3A_329 : vector<16xf32>, vector<16xi1> -> vector<16xf32>
    %broadcast_in_dim3A_331 = arith.constant true
    %broadcast_in_dim3A_332 = vector.broadcast %broadcast_in_dim3A_331 : i1 to vector<16xi1>
    %masked_cumsum3A_333 = tpu.scan <sum>, %div3A_326 masked %broadcast_in_dim3A_332 : vector<16xf32>, vector<16xi1> -> vector<16xf32>
    %sub3A_334 = arith.subf %masked_cumsum3A_330, %div3A_324 : vector<16xf32>
    %add3A_335 = vector.broadcast %add3A_319 : f32 to vector<16xf32>
    %add3A_336 = arith.addf %sub3A_334, %add3A_335 : vector<16xf32>
    %sub3A_337 = arith.subf %masked_cumsum3A_333, %div3A_326 : vector<16xf32>
    %add3A_338 = vector.broadcast %add3A_322 : f32 to vector<16xf32>
    %add3A_339 = arith.addf %sub3A_337, %add3A_338 : vector<16xf32>
    %swap3A_340 = arith.constant 34 : index
    %swap3A_341 = tpu.vector_load %arg10[%swap3A_340] {strides = array<i32>} : memref<136xf32, #tpu.memory_space<vmem>>, vector<16xf32>,
    tpu.vector_store %arg10[%swap3A_340], %div3A_327 {strides = array<i32>} : memref<136xf32, #tpu.memory_space<vmem>>, vector<16xf32>,
    %swap3A_342 = arith.constant 34 : index
    %swap3A_343 = tpu.vector_load %arg8[%swap3A_342] {strides = array<i32>} : memref<136xf32, #tpu.memory_space<vmem>>, vector<16xf32>,
    tpu.vector_store %arg8[%swap3A_342], %add3A_336 {strides = array<i32>} : memref<136xf32, #tpu.memory_space<vmem>>, vector<16xf32>,
    %mul3A_344 = arith.mulf %div3A_327, %add3A_336 : vector<16xf32>
    %sub3A_345 = arith.subf %add3A_339, %mul3A_344 : vector<16xf32>
    %swap3A_346 = arith.constant 34 : index
    %swap3A_347 = tpu.vector_load %arg9[%swap3A_346] {strides = array<i32>} : memref<136xf32, #tpu.memory_space<vmem>>, vector<16xf32>,
    tpu.vector_store %arg9[%swap3A_346], %sub3A_345 {strides = array<i32>} : memref<136xf32, #tpu.memory_space<vmem>>, vector<16xf32>,
    %slice3A_348 = vector.extract_strided_slice %masked_cumsum3A_330 {offsets = [15], sizes = [1], strides = [1]} : vector<16xf32> to vector<1xf32>
    %squeeze3A_349 = vector.extract %slice3A_348[0] : f32 from vector<1xf32>
    %add3A_350 = arith.addf %add3A_319, %squeeze3A_349 : f32
    %slice3A_351 = vector.extract_strided_slice %masked_cumsum3A_333 {offsets = [15], sizes = [1], strides = [1]} : vector<16xf32> to vector<1xf32>
    %squeeze3A_352 = vector.extract %slice3A_351[0] : f32 from vector<1xf32>
    %add3A_353 = arith.addf %add3A_322, %squeeze3A_352 : f32
    %div3A_354 = vector.broadcast %add3A_198 : f32 to vector<16xf32>
    %div3A_355 = arith.divf %add3A_139, %div3A_354 : vector<16xf32>
    %div3A_356 = vector.broadcast %add3A_261 : f32 to vector<16xf32>
    %div3A_357 = arith.divf %add3A_210, %div3A_356 : vector<16xf32>
    %div3A_358 = arith.divf %div3A_357, %div3A_355 : vector<16xf32>
    %broadcast_in_dim3A_359 = arith.constant true
    %broadcast_in_dim3A_360 = vector.broadcast %broadcast_in_dim3A_359 : i1 to vector<16xi1>
    %masked_cumsum3A_361 = tpu.scan <sum>, %div3A_355 masked %broadcast_in_dim3A_360 : vector<16xf32>, vector<16xi1> -> vector<16xf32>
    %broadcast_in_dim3A_362 = arith.constant true
    %broadcast_in_dim3A_363 = vector.broadcast %broadcast_in_dim3A_362 : i1 to vector<16xi1>
    %masked_cumsum3A_364 = tpu.scan <sum>, %div3A_357 masked %broadcast_in_dim3A_363 : vector<16xf32>, vector<16xi1> -> vector<16xf32>
    %sub3A_365 = arith.subf %masked_cumsum3A_361, %div3A_355 : vector<16xf32>
    %add3A_366 = vector.broadcast %add3A_350 : f32 to vector<16xf32>
    %add3A_367 = arith.addf %sub3A_365, %add3A_366 : vector<16xf32>
    %sub3A_368 = arith.subf %masked_cumsum3A_364, %div3A_357 : vector<16xf32>
    %add3A_369 = vector.broadcast %add3A_353 : f32 to vector<16xf32>
    %add3A_370 = arith.addf %sub3A_368, %add3A_369 : vector<16xf32>
    %swap3A_371 = arith.constant 51 : index
    %swap3A_372 = tpu.vector_load %arg10[%swap3A_371] {strides = array<i32>} : memref<136xf32, #tpu.memory_space<vmem>>, vector<16xf32>,
    tpu.vector_store %arg10[%swap3A_371], %div3A_358 {strides = array<i32>} : memref<136xf32, #tpu.memory_space<vmem>>, vector<16xf32>,
    %swap3A_373 = arith.constant 51 : index
    %swap3A_374 = tpu.vector_load %arg8[%swap3A_373] {strides = array<i32>} : memref<136xf32, #tpu.memory_space<vmem>>, vector<16xf32>,
    tpu.vector_store %arg8[%swap3A_373], %add3A_367 {strides = array<i32>} : memref<136xf32, #tpu.memory_space<vmem>>, vector<16xf32>,
    %mul3A_375 = arith.mulf %div3A_358, %add3A_367 : vector<16xf32>
    %sub3A_376 = arith.subf %add3A_370, %mul3A_375 : vector<16xf32>
    %swap3A_377 = arith.constant 51 : index
    %swap3A_378 = tpu.vector_load %arg9[%swap3A_377] {strides = array<i32>} : memref<136xf32, #tpu.memory_space<vmem>>, vector<16xf32>,
    tpu.vector_store %arg9[%swap3A_377], %sub3A_376 {strides = array<i32>} : memref<136xf32, #tpu.memory_space<vmem>>, vector<16xf32>,
    %slice3A_379 = vector.extract_strided_slice %masked_cumsum3A_361 {offsets = [15], sizes = [1], strides = [1]} : vector<16xf32> to vector<1xf32>
    %squeeze3A_380 = vector.extract %slice3A_379[0] : f32 from vector<1xf32>
    %add3A_381 = arith.addf %add3A_350, %squeeze3A_380 : f32
    %slice3A_382 = vector.extract_strided_slice %masked_cumsum3A_364 {offsets = [15], sizes = [1], strides = [1]} : vector<16xf32> to vector<1xf32>
    %squeeze3A_383 = vector.extract %slice3A_382[0] : f32 from vector<1xf32>
    %add3A_384 = arith.addf %add3A_353, %squeeze3A_383 : f32
    %div3A_385 = vector.broadcast %add3A_198 : f32 to vector<16xf32>
    %div3A_386 = arith.divf %add3A_144, %div3A_385 : vector<16xf32>
    %div3A_387 = vector.broadcast %add3A_261 : f32 to vector<16xf32>
    %div3A_388 = arith.divf %add3A_213, %div3A_387 : vector<16xf32>
    %div3A_389 = arith.divf %div3A_388, %div3A_386 : vector<16xf32>
    %broadcast_in_dim3A_390 = arith.constant true
    %broadcast_in_dim3A_391 = vector.broadcast %broadcast_in_dim3A_390 : i1 to vector<16xi1>
    %masked_cumsum3A_392 = tpu.scan <sum>, %div3A_386 masked %broadcast_in_dim3A_391 : vector<16xf32>, vector<16xi1> -> vector<16xf32>
    %broadcast_in_dim3A_393 = arith.constant true
    %broadcast_in_dim3A_394 = vector.broadcast %broadcast_in_dim3A_393 : i1 to vector<16xi1>
    %masked_cumsum3A_395 = tpu.scan <sum>, %div3A_388 masked %broadcast_in_dim3A_394 : vector<16xf32>, vector<16xi1> -> vector<16xf32>
    %sub3A_396 = arith.subf %masked_cumsum3A_392, %div3A_386 : vector<16xf32>
    %add3A_397 = vector.broadcast %add3A_381 : f32 to vector<16xf32>
    %add3A_398 = arith.addf %sub3A_396, %add3A_397 : vector<16xf32>
    %sub3A_399 = arith.subf %masked_cumsum3A_395, %div3A_388 : vector<16xf32>
    %add3A_400 = vector.broadcast %add3A_384 : f32 to vector<16xf32>
    %add3A_401 = arith.addf %sub3A_399, %add3A_400 : vector<16xf32>
    %swap3A_402 = arith.constant 68 : index
    %swap3A_403 = tpu.vector_load %arg10[%swap3A_402] {strides = array<i32>} : memref<136xf32, #tpu.memory_space<vmem>>, vector<16xf32>,
    tpu.vector_store %arg10[%swap3A_402], %div3A_389 {strides = array<i32>} : memref<136xf32, #tpu.memory_space<vmem>>, vector<16xf32>,
    %swap3A_404 = arith.constant 68 : index
    %swap3A_405 = tpu.vector_load %arg8[%swap3A_404] {strides = array<i32>} : memref<136xf32, #tpu.memory_space<vmem>>, vector<16xf32>,
    tpu.vector_store %arg8[%swap3A_404], %add3A_398 {strides = array<i32>} : memref<136xf32, #tpu.memory_space<vmem>>, vector<16xf32>,
    %mul3A_406 = arith.mulf %div3A_389, %add3A_398 : vector<16xf32>
    %sub3A_407 = arith.subf %add3A_401, %mul3A_406 : vector<16xf32>
    %swap3A_408 = arith.constant 68 : index
    %swap3A_409 = tpu.vector_load %arg9[%swap3A_408] {strides = array<i32>} : memref<136xf32, #tpu.memory_space<vmem>>, vector<16xf32>,
    tpu.vector_store %arg9[%swap3A_408], %sub3A_407 {strides = array<i32>} : memref<136xf32, #tpu.memory_space<vmem>>, vector<16xf32>,
    %slice3A_410 = vector.extract_strided_slice %masked_cumsum3A_392 {offsets = [15], sizes = [1], strides = [1]} : vector<16xf32> to vector<1xf32>
    %squeeze3A_411 = vector.extract %slice3A_410[0] : f32 from vector<1xf32>
    %add3A_412 = arith.addf %add3A_381, %squeeze3A_411 : f32
    %slice3A_413 = vector.extract_strided_slice %masked_cumsum3A_395 {offsets = [15], sizes = [1], strides = [1]} : vector<16xf32> to vector<1xf32>
    %squeeze3A_414 = vector.extract %slice3A_413[0] : f32 from vector<1xf32>
    %add3A_415 = arith.addf %add3A_384, %squeeze3A_414 : f32
    %div3A_416 = vector.broadcast %add3A_198 : f32 to vector<16xf32>
    %div3A_417 = arith.divf %add3A_149, %div3A_416 : vector<16xf32>
    %div3A_418 = vector.broadcast %add3A_261 : f32 to vector<16xf32>
    %div3A_419 = arith.divf %add3A_216, %div3A_418 : vector<16xf32>
    %div3A_420 = arith.divf %div3A_419, %div3A_417 : vector<16xf32>
    %broadcast_in_dim3A_421 = arith.constant true
    %broadcast_in_dim3A_422 = vector.broadcast %broadcast_in_dim3A_421 : i1 to vector<16xi1>
    %masked_cumsum3A_423 = tpu.scan <sum>, %div3A_417 masked %broadcast_in_dim3A_422 : vector<16xf32>, vector<16xi1> -> vector<16xf32>
    %broadcast_in_dim3A_424 = arith.constant true
    %broadcast_in_dim3A_425 = vector.broadcast %broadcast_in_dim3A_424 : i1 to vector<16xi1>
    %masked_cumsum3A_426 = tpu.scan <sum>, %div3A_419 masked %broadcast_in_dim3A_425 : vector<16xf32>, vector<16xi1> -> vector<16xf32>
    %sub3A_427 = arith.subf %masked_cumsum3A_423, %div3A_417 : vector<16xf32>
    %add3A_428 = vector.broadcast %add3A_412 : f32 to vector<16xf32>
    %add3A_429 = arith.addf %sub3A_427, %add3A_428 : vector<16xf32>
    %sub3A_430 = arith.subf %masked_cumsum3A_426, %div3A_419 : vector<16xf32>
    %add3A_431 = vector.broadcast %add3A_415 : f32 to vector<16xf32>
    %add3A_432 = arith.addf %sub3A_430, %add3A_431 : vector<16xf32>
    %swap3A_433 = arith.constant 85 : index
    %swap3A_434 = tpu.vector_load %arg10[%swap3A_433] {strides = array<i32>} : memref<136xf32, #tpu.memory_space<vmem>>, vector<16xf32>,
    tpu.vector_store %arg10[%swap3A_433], %div3A_420 {strides = array<i32>} : memref<136xf32, #tpu.memory_space<vmem>>, vector<16xf32>,
    %swap3A_435 = arith.constant 85 : index
    %swap3A_436 = tpu.vector_load %arg8[%swap3A_435] {strides = array<i32>} : memref<136xf32, #tpu.memory_space<vmem>>, vector<16xf32>,
    tpu.vector_store %arg8[%swap3A_435], %add3A_429 {strides = array<i32>} : memref<136xf32, #tpu.memory_space<vmem>>, vector<16xf32>,
    %mul3A_437 = arith.mulf %div3A_420, %add3A_429 : vector<16xf32>
    %sub3A_438 = arith.subf %add3A_432, %mul3A_437 : vector<16xf32>
    %swap3A_439 = arith.constant 85 : index
    %swap3A_440 = tpu.vector_load %arg9[%swap3A_439] {strides = array<i32>} : memref<136xf32, #tpu.memory_space<vmem>>, vector<16xf32>,
    tpu.vector_store %arg9[%swap3A_439], %sub3A_438 {strides = array<i32>} : memref<136xf32, #tpu.memory_space<vmem>>, vector<16xf32>,
    %slice3A_441 = vector.extract_strided_slice %masked_cumsum3A_423 {offsets = [15], sizes = [1], strides = [1]} : vector<16xf32> to vector<1xf32>
    %squeeze3A_442 = vector.extract %slice3A_441[0] : f32 from vector<1xf32>
    %add3A_443 = arith.addf %add3A_412, %squeeze3A_442 : f32
    %slice3A_444 = vector.extract_strided_slice %masked_cumsum3A_426 {offsets = [15], sizes = [1], strides = [1]} : vector<16xf32> to vector<1xf32>
    %squeeze3A_445 = vector.extract %slice3A_444[0] : f32 from vector<1xf32>
    %add3A_446 = arith.addf %add3A_415, %squeeze3A_445 : f32
    %div3A_447 = vector.broadcast %add3A_198 : f32 to vector<16xf32>
    %div3A_448 = arith.divf %add3A_154, %div3A_447 : vector<16xf32>
    %div3A_449 = vector.broadcast %add3A_261 : f32 to vector<16xf32>
    %div3A_450 = arith.divf %add3A_219, %div3A_449 : vector<16xf32>
    %div3A_451 = arith.divf %div3A_450, %div3A_448 : vector<16xf32>
    %broadcast_in_dim3A_452 = arith.constant true
    %broadcast_in_dim3A_453 = vector.broadcast %broadcast_in_dim3A_452 : i1 to vector<16xi1>
    %masked_cumsum3A_454 = tpu.scan <sum>, %div3A_448 masked %broadcast_in_dim3A_453 : vector<16xf32>, vector<16xi1> -> vector<16xf32>
    %broadcast_in_dim3A_455 = arith.constant true
    %broadcast_in_dim3A_456 = vector.broadcast %broadcast_in_dim3A_455 : i1 to vector<16xi1>
    %masked_cumsum3A_457 = tpu.scan <sum>, %div3A_450 masked %broadcast_in_dim3A_456 : vector<16xf32>, vector<16xi1> -> vector<16xf32>
    %sub3A_458 = arith.subf %masked_cumsum3A_454, %div3A_448 : vector<16xf32>
    %add3A_459 = vector.broadcast %add3A_443 : f32 to vector<16xf32>
    %add3A_460 = arith.addf %sub3A_458, %add3A_459 : vector<16xf32>
    %sub3A_461 = arith.subf %masked_cumsum3A_457, %div3A_450 : vector<16xf32>
    %add3A_462 = vector.broadcast %add3A_446 : f32 to vector<16xf32>
    %add3A_463 = arith.addf %sub3A_461, %add3A_462 : vector<16xf32>
    %swap3A_464 = arith.constant 102 : index
    %swap3A_465 = tpu.vector_load %arg10[%swap3A_464] {strides = array<i32>} : memref<136xf32, #tpu.memory_space<vmem>>, vector<16xf32>,
    tpu.vector_store %arg10[%swap3A_464], %div3A_451 {strides = array<i32>} : memref<136xf32, #tpu.memory_space<vmem>>, vector<16xf32>,
    %swap3A_466 = arith.constant 102 : index
    %swap3A_467 = tpu.vector_load %arg8[%swap3A_466] {strides = array<i32>} : memref<136xf32, #tpu.memory_space<vmem>>, vector<16xf32>,
    tpu.vector_store %arg8[%swap3A_466], %add3A_460 {strides = array<i32>} : memref<136xf32, #tpu.memory_space<vmem>>, vector<16xf32>,
    %mul3A_468 = arith.mulf %div3A_451, %add3A_460 : vector<16xf32>
    %sub3A_469 = arith.subf %add3A_463, %mul3A_468 : vector<16xf32>
    %swap3A_470 = arith.constant 102 : index
    %swap3A_471 = tpu.vector_load %arg9[%swap3A_470] {strides = array<i32>} : memref<136xf32, #tpu.memory_space<vmem>>, vector<16xf32>,
    tpu.vector_store %arg9[%swap3A_470], %sub3A_469 {strides = array<i32>} : memref<136xf32, #tpu.memory_space<vmem>>, vector<16xf32>,
    %slice3A_472 = vector.extract_strided_slice %masked_cumsum3A_454 {offsets = [15], sizes = [1], strides = [1]} : vector<16xf32> to vector<1xf32>
    %squeeze3A_473 = vector.extract %slice3A_472[0] : f32 from vector<1xf32>
    %add3A_474 = arith.addf %add3A_443, %squeeze3A_473 : f32
    %slice3A_475 = vector.extract_strided_slice %masked_cumsum3A_457 {offsets = [15], sizes = [1], strides = [1]} : vector<16xf32> to vector<1xf32>
    %squeeze3A_476 = vector.extract %slice3A_475[0] : f32 from vector<1xf32>
    %add3A_477 = arith.addf %add3A_446, %squeeze3A_476 : f32
    %div3A_478 = vector.broadcast %add3A_198 : f32 to vector<16xf32>
    %div3A_479 = arith.divf %add3A_159, %div3A_478 : vector<16xf32>
    %div3A_480 = vector.broadcast %add3A_261 : f32 to vector<16xf32>
    %div3A_481 = arith.divf %add3A_222, %div3A_480 : vector<16xf32>
    %div3A_482 = arith.divf %div3A_481, %div3A_479 : vector<16xf32>
    %broadcast_in_dim3A_483 = arith.constant true
    %broadcast_in_dim3A_484 = vector.broadcast %broadcast_in_dim3A_483 : i1 to vector<16xi1>
    %masked_cumsum3A_485 = tpu.scan <sum>, %div3A_479 masked %broadcast_in_dim3A_484 : vector<16xf32>, vector<16xi1> -> vector<16xf32>
    %broadcast_in_dim3A_486 = arith.constant true
    %broadcast_in_dim3A_487 = vector.broadcast %broadcast_in_dim3A_486 : i1 to vector<16xi1>
    %masked_cumsum3A_488 = tpu.scan <sum>, %div3A_481 masked %broadcast_in_dim3A_487 : vector<16xf32>, vector<16xi1> -> vector<16xf32>
    %sub3A_489 = arith.subf %masked_cumsum3A_485, %div3A_479 : vector<16xf32>
    %add3A_490 = vector.broadcast %add3A_474 : f32 to vector<16xf32>
    %add3A_491 = arith.addf %sub3A_489, %add3A_490 : vector<16xf32>
    %sub3A_492 = arith.subf %masked_cumsum3A_488, %div3A_481 : vector<16xf32>
    %add3A_493 = vector.broadcast %add3A_477 : f32 to vector<16xf32>
    %add3A_494 = arith.addf %sub3A_492, %add3A_493 : vector<16xf32>
    %swap3A_495 = arith.constant 119 : index
    %swap3A_496 = tpu.vector_load %arg10[%swap3A_495] {strides = array<i32>} : memref<136xf32, #tpu.memory_space<vmem>>, vector<16xf32>,
    tpu.vector_store %arg10[%swap3A_495], %div3A_482 {strides = array<i32>} : memref<136xf32, #tpu.memory_space<vmem>>, vector<16xf32>,
    %swap3A_497 = arith.constant 119 : index
    %swap3A_498 = tpu.vector_load %arg8[%swap3A_497] {strides = array<i32>} : memref<136xf32, #tpu.memory_space<vmem>>, vector<16xf32>,
    tpu.vector_store %arg8[%swap3A_497], %add3A_491 {strides = array<i32>} : memref<136xf32, #tpu.memory_space<vmem>>, vector<16xf32>,
    %mul3A_499 = arith.mulf %div3A_482, %add3A_491 : vector<16xf32>
    %sub3A_500 = arith.subf %add3A_494, %mul3A_499 : vector<16xf32>
    %swap3A_501 = arith.constant 119 : index
    %swap3A_502 = tpu.vector_load %arg9[%swap3A_501] {strides = array<i32>} : memref<136xf32, #tpu.memory_space<vmem>>, vector<16xf32>,
    tpu.vector_store %arg9[%swap3A_501], %sub3A_500 {strides = array<i32>} : memref<136xf32, #tpu.memory_space<vmem>>, vector<16xf32>,
    %slice3A_503 = vector.extract_strided_slice %masked_cumsum3A_485 {offsets = [15], sizes = [1], strides = [1]} : vector<16xf32> to vector<1xf32>
    %squeeze3A_504 = vector.extract %slice3A_503[0] : f32 from vector<1xf32>
    %add3A_505 = arith.addf %add3A_474, %squeeze3A_504 : f32
    %slice3A_506 = vector.extract_strided_slice %masked_cumsum3A_488 {offsets = [15], sizes = [1], strides = [1]} : vector<16xf32> to vector<1xf32>
    %squeeze3A_507 = vector.extract %slice3A_506[0] : f32 from vector<1xf32>
    %add3A_508 = arith.addf %add3A_477, %squeeze3A_507 : f32
    %broadcast_in_dim3A_509 = vector.broadcast %add3A_287 : f32 to vector<16xf32>
    %broadcast_in_dim3A_510 = vector.broadcast %add3A_319 : f32 to vector<16xf32>
    %broadcast_in_dim3A_511 = vector.broadcast %add3A_350 : f32 to vector<16xf32>
    %broadcast_in_dim3A_512 = vector.broadcast %add3A_381 : f32 to vector<16xf32>
    %broadcast_in_dim3A_513 = vector.broadcast %add3A_412 : f32 to vector<16xf32>
    %broadcast_in_dim3A_514 = vector.broadcast %add3A_443 : f32 to vector<16xf32>
    %broadcast_in_dim3A_515 = vector.broadcast %add3A_474 : f32 to vector<16xf32>
    %dma_wait3A = tpu.memref_slice %arg2[%mul3A_18, %mul3A_34] : memref<16x4096xf32, #tpu.memory_space<hbm>> -> memref<8x256xf32, #tpu.memory_space<hbm>>
    %dma_wait3A_516 = tpu.memref_slice %arg2[%mul3A_18, %mul3A_34] : memref<16x4096xf32, #tpu.memory_space<hbm>> -> memref<8x256xf32, #tpu.memory_space<hbm>>
    tpu.wait_dma2 semaphore(%arg13 : memref<!tpu.dma_semaphore, #tpu.memory_space<semaphore_mem>>) src(%dma_wait3A_516 : memref<8x256xf32, #tpu.memory_space<hbm>>) dst(%arg11 : memref<8x256xf32, #tpu.memory_space<vmem>>)
    %parallel_loop3A = arith.constant 0 : i32
    %parallel_loop3A_517 = arith.constant 2048 : i32
    %parallel_loop3A_518 = arith.constant 16 : i32
    scf.for %parallel_loop3A_519 = %parallel_loop3A to %parallel_loop3A_517 step %parallel_loop3A_518  : i32 {
      %parallel_loop3A_520 = arith.constant 8 : i32
      %parallel_loop3A_521 = arith.shrui %parallel_loop3A_519, %parallel_loop3A_520 : i32
      %parallel_loop3A_522 = arith.constant 255 : i32
      %parallel_loop3A_523 = arith.andi %parallel_loop3A_519, %parallel_loop3A_522 : i32
      %parallel_loop3A_524 = arith.index_cast %parallel_loop3A_521 : i32 to index
      %parallel_loop3A_525 = arith.index_cast %parallel_loop3A_523 : i32 to index
      %parallel_loop3A_526 = tpu.vector_load %arg11[%parallel_loop3A_524, %parallel_loop3A_525] {strides = array<i32>} : memref<8x256xf32, #tpu.memory_space<vmem>>, vector<16xf32>,
      %parallel_loop3A_527 = arith.cmpf ole, %broadcast_in_dim3A_512, %parallel_loop3A_526 : vector<16xf32>
      %parallel_loop3A_528 = arith.select %parallel_loop3A_527, %broadcast_in_dim3A_514, %broadcast_in_dim3A_510 : vector<16xi1>, vector<16xf32>
      %parallel_loop3A_529 = arith.cmpf ole, %parallel_loop3A_528, %parallel_loop3A_526 : vector<16xf32>
      %parallel_loop3A_530 = arith.select %parallel_loop3A_529, %broadcast_in_dim3A_511, %broadcast_in_dim3A_509 : vector<16xi1>, vector<16xf32>
      %parallel_loop3A_531 = arith.select %parallel_loop3A_529, %broadcast_in_dim3A_515, %broadcast_in_dim3A_513 : vector<16xi1>, vector<16xf32>
      %parallel_loop3A_532 = arith.select %parallel_loop3A_527, %parallel_loop3A_531, %parallel_loop3A_530 : vector<16xi1>, vector<16xf32>
      %parallel_loop3A_533 = arith.cmpf ole, %parallel_loop3A_532, %parallel_loop3A_526 : vector<16xf32>
      %parallel_loop3A_534 = arith.constant 64 : i32
      %parallel_loop3A_535 = arith.constant 0 : i32
      %parallel_loop3A_536 = vector.broadcast %parallel_loop3A_534 : i32 to vector<16xi32>
      %parallel_loop3A_537 = vector.broadcast %parallel_loop3A_535 : i32 to vector<16xi32>
      %parallel_loop3A_538 = arith.select %parallel_loop3A_527, %parallel_loop3A_536, %parallel_loop3A_537 : vector<16xi1>, vector<16xi32>
      %parallel_loop3A_539 = arith.constant 32 : i32
      %parallel_loop3A_540 = arith.constant 0 : i32
      %parallel_loop3A_541 = vector.broadcast %parallel_loop3A_539 : i32 to vector<16xi32>
      %parallel_loop3A_542 = vector.broadcast %parallel_loop3A_540 : i32 to vector<16xi32>
      %parallel_loop3A_543 = arith.select %parallel_loop3A_529, %parallel_loop3A_541, %parallel_loop3A_542 : vector<16xi1>, vector<16xi32>
      %parallel_loop3A_544 = arith.addi %parallel_loop3A_538, %parallel_loop3A_543 : vector<16xi32>
      %parallel_loop3A_545 = arith.constant 16 : i32
      %parallel_loop3A_546 = arith.constant 0 : i32
      %parallel_loop3A_547 = vector.broadcast %parallel_loop3A_545 : i32 to vector<16xi32>
      %parallel_loop3A_548 = vector.broadcast %parallel_loop3A_546 : i32 to vector<16xi32>
      %parallel_loop3A_549 = arith.select %parallel_loop3A_533, %parallel_loop3A_547, %parallel_loop3A_548 : vector<16xi1>, vector<16xi32>
      %parallel_loop3A_550 = arith.addi %parallel_loop3A_544, %parallel_loop3A_549 : vector<16xi32>
      %parallel_loop3A_551 = arith.constant 8 : i32
      %parallel_loop3A_552 = vector.broadcast %parallel_loop3A_551 : i32 to vector<16xi32>
      %parallel_loop3A_553 = arith.addi %parallel_loop3A_550, %parallel_loop3A_552 : vector<16xi32>
      %parallel_loop3A_554 = arith.constant 4 : i32
      %parallel_loop3A_555 = vector.broadcast %parallel_loop3A_554 : i32 to vector<16xi32>
      %parallel_loop3A_556 = arith.shrui %parallel_loop3A_553, %parallel_loop3A_555 : vector<16xi32>
      %parallel_loop3A_557 = arith.addi %parallel_loop3A_553, %parallel_loop3A_556 : vector<16xi32>
      %parallel_loop3A_558 = tpu.vector_load_idx %arg8[%parallel_loop3A_557] : memref<136xf32, #tpu.memory_space<vmem>>[vector<16xi32>], vector<16xf32>,
      %parallel_loop3A_559 = arith.cmpf ole, %parallel_loop3A_558, %parallel_loop3A_526 : vector<16xf32>
      %parallel_loop3A_560 = arith.select %parallel_loop3A_559, %parallel_loop3A_553, %parallel_loop3A_550 : vector<16xi1>, vector<16xi32>
      %parallel_loop3A_561 = arith.constant 4 : i32
      %parallel_loop3A_562 = vector.broadcast %parallel_loop3A_561 : i32 to vector<16xi32>
      %parallel_loop3A_563 = arith.addi %parallel_loop3A_560, %parallel_loop3A_562 : vector<16xi32>
      %parallel_loop3A_564 = arith.constant 4 : i32
      %parallel_loop3A_565 = vector.broadcast %parallel_loop3A_564 : i32 to vector<16xi32>
      %parallel_loop3A_566 = arith.shrui %parallel_loop3A_563, %parallel_loop3A_565 : vector<16xi32>
      %parallel_loop3A_567 = arith.addi %parallel_loop3A_563, %parallel_loop3A_566 : vector<16xi32>
      %parallel_loop3A_568 = tpu.vector_load_idx %arg8[%parallel_loop3A_567] : memref<136xf32, #tpu.memory_space<vmem>>[vector<16xi32>], vector<16xf32>,
      %parallel_loop3A_569 = arith.cmpf ole, %parallel_loop3A_568, %parallel_loop3A_526 : vector<16xf32>
      %parallel_loop3A_570 = arith.select %parallel_loop3A_569, %parallel_loop3A_563, %parallel_loop3A_560 : vector<16xi1>, vector<16xi32>
      %parallel_loop3A_571 = arith.constant 2 : i32
      %parallel_loop3A_572 = vector.broadcast %parallel_loop3A_571 : i32 to vector<16xi32>
      %parallel_loop3A_573 = arith.addi %parallel_loop3A_570, %parallel_loop3A_572 : vector<16xi32>
      %parallel_loop3A_574 = arith.constant 4 : i32
      %parallel_loop3A_575 = vector.broadcast %parallel_loop3A_574 : i32 to vector<16xi32>
      %parallel_loop3A_576 = arith.shrui %parallel_loop3A_573, %parallel_loop3A_575 : vector<16xi32>
      %parallel_loop3A_577 = arith.addi %parallel_loop3A_573, %parallel_loop3A_576 : vector<16xi32>
      %parallel_loop3A_578 = tpu.vector_load_idx %arg8[%parallel_loop3A_577] : memref<136xf32, #tpu.memory_space<vmem>>[vector<16xi32>], vector<16xf32>,
      %parallel_loop3A_579 = arith.cmpf ole, %parallel_loop3A_578, %parallel_loop3A_526 : vector<16xf32>
      %parallel_loop3A_580 = arith.select %parallel_loop3A_579, %parallel_loop3A_573, %parallel_loop3A_570 : vector<16xi1>, vector<16xi32>
      %parallel_loop3A_581 = arith.constant 1 : i32
      %parallel_loop3A_582 = vector.broadcast %parallel_loop3A_581 : i32 to vector<16xi32>
      %parallel_loop3A_583 = arith.addi %parallel_loop3A_580, %parallel_loop3A_582 : vector<16xi32>
      %parallel_loop3A_584 = arith.constant 4 : i32
      %parallel_loop3A_585 = vector.broadcast %parallel_loop3A_584 : i32 to vector<16xi32>
      %parallel_loop3A_586 = arith.shrui %parallel_loop3A_583, %parallel_loop3A_585 : vector<16xi32>
      %parallel_loop3A_587 = arith.addi %parallel_loop3A_583, %parallel_loop3A_586 : vector<16xi32>
      %parallel_loop3A_588 = tpu.vector_load_idx %arg8[%parallel_loop3A_587] : memref<136xf32, #tpu.memory_space<vmem>>[vector<16xi32>], vector<16xf32>,
      %parallel_loop3A_589 = arith.cmpf ole, %parallel_loop3A_588, %parallel_loop3A_526 : vector<16xf32>
      %parallel_loop3A_590 = arith.select %parallel_loop3A_589, %parallel_loop3A_583, %parallel_loop3A_580 : vector<16xi1>, vector<16xi32>
      %parallel_loop3A_591 = arith.constant 4 : i32
      %parallel_loop3A_592 = vector.broadcast %parallel_loop3A_591 : i32 to vector<16xi32>
      %parallel_loop3A_593 = arith.shrui %parallel_loop3A_590, %parallel_loop3A_592 : vector<16xi32>
      %parallel_loop3A_594 = arith.addi %parallel_loop3A_590, %parallel_loop3A_593 : vector<16xi32>
      %parallel_loop3A_595 = tpu.vector_load_idx %arg9[%parallel_loop3A_594] : memref<136xf32, #tpu.memory_space<vmem>>[vector<16xi32>], vector<16xf32>,
      %parallel_loop3A_596 = tpu.vector_load_idx %arg10[%parallel_loop3A_594] : memref<136xf32, #tpu.memory_space<vmem>>[vector<16xi32>], vector<16xf32>,
      %parallel_loop3A_597 = arith.mulf %parallel_loop3A_596, %parallel_loop3A_526 : vector<16xf32>
      %parallel_loop3A_598 = arith.addf %parallel_loop3A_595, %parallel_loop3A_597 : vector<16xf32>
      %parallel_loop3A_599 = arith.index_cast %parallel_loop3A_521 : i32 to index
      %parallel_loop3A_600 = arith.index_cast %parallel_loop3A_523 : i32 to index
      %parallel_loop3A_601 = tpu.vector_load %arg12[%parallel_loop3A_599, %parallel_loop3A_600] {strides = array<i32>} : memref<8x256xf32, #tpu.memory_space<vmem>>, vector<16xf32>,
      tpu.vector_store %arg12[%parallel_loop3A_599, %parallel_loop3A_600], %parallel_loop3A_598 {strides = array<i32>} : memref<8x256xf32, #tpu.memory_space<vmem>>, vector<16xf32>,
    } {sc.loop_unroll_factor = 2 : i64, sc.parallel_access}
    "tpu.region"() ({
      %run_scoped3A = tpu.sem_alloc : memref<!tpu.dma_semaphore, #tpu.memory_space<semaphore_mem>>
      %dma_start3A_519 = tpu.memref_slice %arg5[%mul3A_18, %mul3A_34] : memref<16x4096xf32, #tpu.memory_space<hbm>> -> memref<8x256xf32, #tpu.memory_space<hbm>>
      %dma_start3A_520 = tpu.memref_slice %arg5[%mul3A_18, %mul3A_34] : memref<16x4096xf32, #tpu.memory_space<hbm>> -> memref<8x256xf32, #tpu.memory_space<hbm>>
      tpu.enqueue_dma source(%arg12 : memref<8x256xf32, #tpu.memory_space<vmem>>) target(%dma_start3A_520 : memref<8x256xf32, #tpu.memory_space<hbm>>) target_semaphore(%run_scoped3A : memref<!tpu.dma_semaphore, #tpu.memory_space<semaphore_mem>>)
      %dma_wait3A_521 = tpu.memref_slice %arg5[%mul3A_18, %mul3A_34] : memref<16x4096xf32, #tpu.memory_space<hbm>> -> memref<8x256xf32, #tpu.memory_space<hbm>>
      %dma_wait3A_522 = tpu.memref_slice %arg5[%mul3A_18, %mul3A_34] : memref<16x4096xf32, #tpu.memory_space<hbm>> -> memref<8x256xf32, #tpu.memory_space<hbm>>
      tpu.wait_dma2 semaphore(%run_scoped3A : memref<!tpu.dma_semaphore, #tpu.memory_space<semaphore_mem>>) src(%arg12 : memref<8x256xf32, #tpu.memory_space<vmem>>) dst(%dma_wait3A_522 : memref<8x256xf32, #tpu.memory_space<hbm>>)
      tpu.yield
    }) : () -> ()
    return
  }
}

</mosaic_0001>

<sc_bundles>
// kernel: kernel.3.cloned.1.call-start
scs
__scs_entry_jumppad:
0x0: {  	(pc) =	sbr.rel $0x88, $3  }
0x1: {  	(tag) =	ssettag $0x0;
	lr =	simm.s32 $0x1  }
0x2: {  	[smem:$0x3F9E] =	sst lr;
	_ =	strace $0xD0000000  }
0x3: {  	_ = 	snop  }
0x4: {  	_ = 	snop  }
0x5: {  	_ = 	snop  }
0x6: {  	_ = 	snop  }
0x7: {  	_ = 	snop  }
__scs_overlays_trampoline_lowered:
0x8: {  	[smem:$0x3FAD] =	sst s0  }
0x9: {  	[smem:$0x3FAE] =	sst s1  }
0xa: {  	[smem:$0x3FAF] =	sst s2  }
0xb: {  	[smem:$0x3FB0] =	sst s3  }
0xc: {  	[smem:$0x3FB1] =	sst s4  }
0xd: {  	[smem:$0x3FB2] =	sst s5  }
0xe: {  	[smem:$0x3FB3] =	sst s6  }
0xf: {  	[smem:$0x3FB4] =	sst s7  }
0x10: {  	[smem:$0x3FB5] =	sst s8  }
0x11: {  	[smem:$0x3FB6] =	sst s9;
	s0 =	simm.s32 @!p0 $0x0  }
0x12: {  	s1 =	sld [smem:$0x3F9C];
	s0 =	simm.s32 @p0 $0x1  }
0x13: {  	[smem:$0x3FB7] =	sst s0;
	s0 =	simm.s32 @!p1 $0x0  }
0x14: {  	s2 =	sld [smem:$0x3F9B];
	s0 =	simm.s32 @p1 $0x1  }
0x15: {  	[smem:$0x3FB8] =	sst s0;
	s0 =	simm.s32 @!p2 $0x0  }
0x16: {  	s3 =	sld [smem:$0x3FDB];
	s0 =	simm.s32 @p2 $0x1  }
0x17: {  	s4 =	simm.s32 $0x1BF5;
	[smem:$0x3FBA] =	sst s0  }
0x18: {  	s0 =	sld [smem:$0x3F9D];
	_ =	swait.ge [sflag:s4], $0x0  }
0x19: {  	s7 =	sld [smem:$0x3F9E]  }
0x1a: {  	s8 =	sadd.s32 $0xFFFFE003, lr  }
0x1b: {  	s9 =	sadd.s32 $0xFFFFFEF7, lr;
	s5 =	simm.s32 $0xFFFFFFFF;
	p2 =	slt.u32 s8, $0xFFFFF086  }
0x1c: {  	p1 =	slt.u32 s9, $0xF7A;
	s5 =	simm.s32 @!p2 $0x0  }
0x1d: {  	s5 =	simm.s32 @p1 $0x1;
	p0 =	seq.s32 s7, s2  }
0x1e: {  	s7 =	smul.u32 @!p0 $0xF7A, s2;
	p2 =	seq.s32 @!p0 s5, $0x0  }
0x1f: {  	s9 =	smul.u32 $0xF7A, s1;
	s8 =	simm.s32 @!p0 $0x1BF5;
	p2 =	por !p2, p0  }
0x20: {  	[sflag:s8] =	ssyncset.s32 @!p0 $0xFFFFF086;
	s6 =	sadd.s32 @!p0 s3, s7;
	s7 =	simm.s32 @!p0 $0x108  }
0x21: {  	s3 =	sadd.s32 s3, s9;
	s6 =	sadd.s32 @!p0 $0x88, s6;
	s7 =	simm.s32 @p2 $0x1082  }
0x22: {  	[simem:s7], [sflag:s8] =	dma.local @!p0 [hbm:s6], $0xF7A  }
0x23: {  	s9 =	sor.u32 $0xD0000000, s2;
	s6 =	simm.s32 $0x108;
	_ =	swait.ge @!p0 [sflag:s8], $0x0  }
0x24: {  	s3 =	sadd.s32 $0x88, s3;
	s6 =	simm.s32 @!p1 $0x1082;
	[sflag:s4] =	ssyncset.s32 $0xFFFFF086  }
0x25: {  	[simem:s6], [sflag:s4] =	dma.local [hbm:s3], $0xF7A  }
0x26: {  	[smem:$0x3F9E] =	sst s1;
	(tag) =	ssettag s2;
	_ =	strace s9  }
0x27: {  	s1 =	sld [smem:$0x3FAE]  }
0x28: {  	s2 =	sld [smem:$0x3FAF]  }
0x29: {  	s4 =	sld [smem:$0x3FB1]  }
0x2a: {  	p0 =	seq.s32 s5, $0x0;
	s5 =	sld [smem:$0x3FB2]  }
0x2b: {  	s6 =	sld [smem:$0x3FB3]  }
0x2c: {  	s7 =	sld [smem:$0x3FB4]  }
0x2d: {  	s3 =	simm.s32 $0x108;
	s8 =	sld [smem:$0x3FB5]  }
0x2e: {  	s3 =	simm.s32 @!p0 $0x1082;
	s9 =	sld [smem:$0x3FB6]  }
0x2f: {  	lr =	sadd.s32 s0, s3;
	s0 =	sld [smem:$0x3FAD]  }
0x30: {  	s3 =	sld [smem:$0x3FB0]  }
0x31: {  	[smem:$0x3FB9] =	sst s10  }
0x32: {  	s10 =	sld [smem:$0x3FB7];
	_ =	sdelay $0x3  }
0x33: {  	p0 =	seq.s32 s10, $0x1;
	s10 =	sld [smem:$0x3FB9];
	_ =	sdelay $0x3  }
0x34: {  	[smem:$0x3FB9] =	sst s10  }
0x35: {  	s10 =	sld [smem:$0x3FB8];
	_ =	sdelay $0x3  }
0x36: {  	p1 =	seq.s32 s10, $0x1;
	s10 =	sld [smem:$0x3FB9];
	_ =	sdelay $0x3  }
0x37: {  	[smem:$0x3FB9] =	sst s10  }
0x38: {  	s10 =	sld [smem:$0x3FBA]  }
0x39: {  	_ = 	snop;
	(pc) =	sbr.ind lr, $3  }
0x3a: {  	_ = 	snop  }
0x3b: {  	_ = 	snop  }
0x3c: {  	p2 =	seq.s32 s10, $0x1;
	s10 =	sld [smem:$0x3FB9]  }
0x3d: {  	_ =	shalt  }
0x3e: {  	_ =	shalt  }
0x3f: {  	_ =	shalt  }
0x40: {  	_ =	shalt  }
0x41: {  	_ =	shalt  }
0x42: {  	_ =	shalt  }
0x43: {  	_ =	shalt  }
0x44: {  	_ =	shalt  }
0x45: {  	_ =	shalt  }
0x46: {  	_ =	shalt  }
0x47: {  	_ =	shalt  }
0x48: {  	_ =	shalt  }
0x49: {  	_ =	shalt  }
0x4a: {  	_ =	shalt  }
0x4b: {  	_ =	shalt  }
0x4c: {  	_ =	shalt  }
0x4d: {  	_ =	shalt  }
0x4e: {  	_ =	shalt  }
0x4f: {  	_ =	shalt  }
0x50: {  	_ =	shalt  }
0x51: {  	_ =	shalt  }
0x52: {  	_ =	shalt  }
0x53: {  	_ =	shalt  }
0x54: {  	_ =	shalt  }
0x55: {  	_ =	shalt  }
0x56: {  	_ =	shalt  }
0x57: {  	_ =	shalt  }
0x58: {  	_ =	shalt  }
0x59: {  	_ =	shalt  }
0x5a: {  	_ =	shalt  }
0x5b: {  	_ =	shalt  }
0x5c: {  	_ =	shalt  }
0x5d: {  	_ =	shalt  }
0x5e: {  	_ =	shalt  }
0x5f: {  	_ =	shalt  }
0x60: {  	_ =	shalt  }
0x61: {  	_ =	shalt  }
0x62: {  	_ =	shalt  }
0x63: {  	_ =	shalt  }
0x64: {  	_ =	shalt  }
0x65: {  	_ =	shalt  }
0x66: {  	_ =	shalt  }
0x67: {  	_ =	shalt  }
0x68: {  	_ =	shalt  }
0x69: {  	_ =	shalt  }
0x6a: {  	_ =	shalt  }
0x6b: {  	_ =	shalt  }
0x6c: {  	_ =	shalt  }
0x6d: {  	_ =	shalt  }
0x6e: {  	_ =	shalt  }
0x6f: {  	_ =	shalt  }
0x70: {  	_ =	shalt  }
0x71: {  	_ =	shalt  }
0x72: {  	_ =	shalt  }
0x73: {  	_ =	shalt  }
0x74: {  	_ =	shalt  }
0x75: {  	_ =	shalt  }
0x76: {  	_ =	shalt  }
0x77: {  	_ =	shalt  }
0x78: {  	_ =	shalt  }
0x79: {  	_ =	shalt  }
0x7a: {  	_ =	shalt  }
0x7b: {  	_ =	shalt  }
0x7c: {  	_ =	shalt  }
0x7d: {  	_ =	shalt  }
0x7e: {  	_ =	shalt  }
0x7f: {  	_ =	shalt  }
0x80: {  	_ =	shalt  }
0x81: {  	_ =	shalt  }
0x82: {  	_ =	shalt  }
0x83: {  	_ =	shalt  }
0x84: {  	_ =	shalt  }
0x85: {  	_ =	shalt  }
0x86: {  	_ =	shalt  }
0x87: {  	_ =	shalt  }
.Lfunc_end0:
.L_simem_size_0:
called_computation_lowered:
.L_overlay_start_0:
0x88: {  	s2 =	sld [smem:$0x3FD9]  }
0x89: {  	s3 =	sld [smem:$0x3FFE];
	_ =	sdelay $0x1  }
0x8a: {  	s1 =	srdreg.scid  }
0x8b: {  	s0 =	sand.u32 $0x1, s1  }
0x8c: {  	s18 =	sshll.u32 s0, $0xA;
	s2 =	sadd.s32 s3, s2  }
0x8d: {  	s2 =	sadd.s32 s2, s18  }
0x8e: {  	[smem:$0x3FC5] =	sst s2  }
0x8f: {  	_ = 	snop  }
0x90: {  	s2 =	sld [smem:$0x3FC9]  }
0x91: {  	s19 =	sld [smem:$0x3FC8]  }
0x92: {  	s4 =	sld [smem:$0x3FC7]  }
0x93: {  	s5 =	sld [smem:$0x3FD0];
	(tm) =	ssettm $0x1  }
0x94: {  	s6 =	sld [smem:$0x3FFB];
	_ =	sdelay $0x3  }
0x95: {  	_ =	strace s6  }
0x96: {  	s6 =	sld [smem:$0x3FFC];
	_ =	sdelay $0x3  }
0x97: {  	_ =	strace s6  }
0x98: {  	s6 =	sld [smem:$0x3FFD];
	_ =	sdelay $0x3  }
0x99: {  	_ =	strace s6  }
0x9a: {  	_ =	strace $0x8FFFFFFF  }
0x9b: {  	s20 =	sld [smem:$0x3FDB];
	_ =	sdelay $0x1  }
0x9c: {  	s7 =	simm.s32 $_scs_section_size  }
0x9d: {  	s8 =	simm.s32 $_size__tile_overlayer_lowered;
	s9 =	simm.s32 $_tile_overlayer_lowered  }
0x9e: {  	s23 =	simm.s32 $0x1BFF;
	s22 =	sshll.u32 s9, $0x1;
	s6 =	sadd.s32 s7, s20  }
0x9f: {  	s10 =	simm.s32 $0x0;
	s21 =	sshll.u32 s8, $0x1;
	s8 =	sadd.s32 s22, s6  }
0xa0: {  	[timem:s10], [sflag:s23] =	dma.local [hbm:s8], s21  }
0xa1: {  	_ =	swait.ge [sflag:s23], s21  }
0xa2: {  	s7 =	ssub.s32 $0x0, s21;
	[sflag:s23] =	ssyncset.done $0x0  }
0xa3: {  	[sflag:s23] =	ssyncadd.s32 s7;
	_ =	sdelay $0x1  }
0xa4: {  	s24 =	simm.s32 $0x1B8B  }
0xa5: {  	_ =	swait.ge [sflag:s24], $0x1  }
0xa6: {  	[sflag:s24] =	ssyncset.done $0x0  }
0xa7: {  	s25 =	simm.s32 $0x1B8E;
	[sflag:s24] =	ssyncadd.s32 $0xFFFFFFFF  }
0xa8: {  	s26 =	simm.s32 $execute0_lowered;
	[smem:$0x3FD2] =	sst s25  }
0xa9: {  	s7 =	sshll.u32 s26, $0x1;
	_ =	strace $0x80000046;
	[dreg:$0x1] =	wrdreg $0xFFFFFFFF  }
0xaa: {  	s28 =	simm.s32 $_size_execute0_lowered;
	s6 =	sadd.s32 s6, s7;
	[dreg:$0x0] =	wrdreg $0x0  }
0xab: {  	s7 =	sshll.u32 s28, $0x1;
	[dreg:$0x2] =	wrdreg s6  }
0xac: {  	[dreg:$0x3] =	wrdreg s7  }
0xad: {  	[dreg:$0x4] =	wrdreg $0xC0  }
0xae: {  	_ =	task [dreg:s10], $0x5FFFF  }
0xaf: {  	[dreg:$0x1] =	wrdreg $0xFFFFFFFF  }
0xb0: {  	[dreg:$0x0] =	wrdreg $0x60  }
0xb1: {  	[dreg:$0x2] =	wrdreg s2  }
0xb2: {  	[dreg:$0x3] =	wrdreg s19  }
0xb3: {  	[dreg:$0x4] =	wrdreg s4  }
0xb4: {  	[dreg:$0x5] =	wrdreg s5  }
0xb5: {  	[dreg:$0x6] =	wrdreg $0x9  }
0xb6: {  	_ =	task.clear_ibuf [dreg:s10], $0x7FFFF;
	_ =	strace $0x90000046  }
0xb7: {  	s29 =	simm.s32 $0x9;
	_ =	strace $0x80000048  }
0xb8: {  	_ =	swait.ge [sflag:s29], $0x1  }
0xb9: {  	[sflag:s29] =	ssyncadd.s32 $0xFFFFFFFF  }
0xba: {  	_ =	strace $0x90000048  }
0xbb: {  	_ =	sfence  }
0xbc: {  	s30 =	sld [smem:$0x0];
	_ =	sdelay $0x2  }
0xbd: {  	s31 =	sshll.u32 s1, $0xD;
	s1 =	sshrl.u32 s1, $0x2  }
0xbe: {  	s3 =	sand.u32 $0x4000, s31;
	s1 =	sadd.s32 s1, s30  }
0xbf: {  	s0 =	sor.u32 s3, s0;
	s1 =	sshll.u32 s1, $0x11  }
0xc0: {  	s0 =	sor.u32 s1, s0  }
0xc1: {  	s0 =	sadd.s32 $0x8F2B, s0  }
0xc2: {  	[sflag:s0] =	ssyncadd.remote.s32 $0x1  }
0xc3: {  	_ =	sfence.sel $0xFFFF  }
0xc4: {  	[dreg:$0x0] =	wrdreg $0xFFFFFFFF;
	(pc) =	sbr.abs _section_cstart, $3  }
0xc5: {  	[dreg:$0x1] =	wrdreg $0xFFFFFFFF  }
0xc6: {  	_ =	task.clear_ibuf [dreg:s10], $0x2FFFF;
	_ =	strace $0x9FFFFFFF  }
0xc7: {  	(tm) =	ssettm $0x7FFFFFFF  }
tec
execute0_lowered:
.L_overlay_start_1:
0x0: {  	(tag) =	ssettag $0x1  }
0x1: {  	s5 =	rddreg [dreg:$0x0]  }
0x2: {  	s2 =	rddreg [dreg:$0x1]  }
0x3: {  	s3 =	rddreg [dreg:$0x2]  }
0x4: {  	s0 =	stileid.u32;
	s6 =	rddreg [dreg:$0x3]  }
0x5: {  	s4 =	srdreg.scid;
	s1 =	rddreg [dreg:$0x4]  }
0x6: {  	s11 =	simm.s32 $0x1;
	s12 =	simm.s32 $0x100;
	s13 =	simm.s32 $0x200  }
0x7: {  	s14 =	simm.s32 $0x300;
	s15 =	simm.s32 $0xC00;
	s16 =	simm.s32 $0x3  }
0x8: {  	s17 =	simm.s32 $0x0;
	s7 =	sshll.u32 s0, $0x1;
	s8 =	sand.u32 $0x1, s4  }
0x9: {  	s4 =	simm.s32 $0x0;
	s9 =	sshll.u32 s0, $0x9;
	s7 =	sand.u32 $0xE, s7  }
0xa: {  	s9 =	sand.u32 $0x1000, s9;
	s7 =	sor.u32 s8, s7;
	s8 =	ssub.s32 $0x2, s8  }
0xb: {  	[smem:$0x7FF] =	sst s4;
	s7 =	sshll.u32 s7, $0x8;
	s10 =	sshrl.u32 s8, $0x1  }
0xc: {  	_ =	strace $0x80000047;
	s7 =	sor.u32 s9, s7;
	s8 =	ssub.s32 s8, s10  }
0xd: {  	s9 =	simm.s32 $0x400;
	s10 =	simm.s32 $0x2;
	s5 =	sadd.s32 s5, s7  }
0xe: {  	v0 =	vimm.s32 $0x0;
	s6 =	sadd.s32 s6, s7;
	s7 =	smax.u32 s8, $0x1;
	s8 =	simm.s32 $0x80  }
.LBB2_1:
0xf: {  	[tilespmem:s4], [sflag:$0x2] =	stream.linear.gather [hbm4b:s2+s4], $0x80, $0x38;
	[tilespmem:$0x1400] =	vst v63  }
0x10: {  	_ = 	snop  }
0x11: {  	[tilespmem:s8], [sflag:$0x2] =	stream.linear.gather [hbm4b:s3+s4], $0x80, $0x38;
	[tilespmem:$0x1400] =	vst v63  }
0x12: {  	_ = 	snop  }
0x13: {  	[tilespmem:s9], [sflag:$0x1] =	stream.linear.gather [hbm4b:s5+s4], $0x800, $0x38;
	[tilespmem:$0x1400] =	vst v63  }
0x14: {  	_ =	swait.ge [sflag:s10], $0x80  }
0x15: {  	[sflag:s10] =	ssyncset.done $0x0  }
0x16: {  	[sflag:s10] =	ssyncadd.s32 $0xFFFFFF80  }
0x17: {  	_ =	swait.ge [sflag:s10], $0x80  }
0x18: {  	[sflag:s10] =	ssyncset.done $0x0  }
0x19: {  	[sflag:s10] =	ssyncadd.s32 $0xFFFFFF80  }
0x1a: {  	v1 =	vld [tilespmem:$0x0];
	_ =	sdelay $0x1  }
0x1b: {  	v2 =	vld [tilespmem:$0x10];
	_ =	sdelay $0x1  }
0x1c: {  	v3 =	vld [tilespmem:$0x20]  }
0x1d: {  	v1 =	vmul.f32 $1.442695020e+00, v1  }
0x1e: {  	v4 =	vld [tilespmem:$0x30]  }
0x1f: {  	v2 =	vmul.f32 $1.442695020e+00, v2;
	(erf) = vpow2.f32 v1;
	v1 =	vld [tilespmem:$0x40];
	_ =	sdelay $0x1  }
0x20: {  	(erf) = vpow2.f32 v2;
	v2 =	vmul.f32 $1.442695020e+00, v3;
	v3 =	vld [tilespmem:$0x50];
	_ =	sdelay $0x1  }
0x21: {  	(erf) = vpow2.f32 v2;
	v2 =	vmul.f32 $1.442695020e+00, v4;
	v4 =	vld [tilespmem:$0x60]  }
0x22: {  	v1 =	vmul.f32 $1.442695020e+00, v1  }
0x23: {  	(erf) = vpow2.f32 v2;
	v2 =	vld [tilespmem:$0x70]  }
0x24: {  	(erf) = vpow2.f32 v1;
	v1 =	vmul.f32 $1.442695020e+00, v3;
	_ =	sdelay $0x1  }
0x25: {  	v3 =	vmul.f32 $1.442695020e+00, v4  }
0x26: {  	v4 =	vpop (erf);
	(erf) = vpow2.f32 v1  }
0x27: {  	(erf) = vpow2.f32 v3;
	(xrf2) =	vadd.scan.msk.f32 $0xffff, v4;
	v2 =	vmul.f32 $1.442695020e+00, v2;
	v1 =	vpop (erf)  }
0x28: {  	(xrf2) =	vadd.scan.msk.f32 $0xffff, v1  }
0x29: {  	v3 =	vpop (erf)  }
0x2a: {  	(erf) = vpow2.f32 v2;
	(xrf2) =	vadd.scan.msk.f32 $0xffff, v3  }
0x2b: {  	v2 =	vpop (erf)  }
0x2c: {  	(xrf2) =	vadd.scan.msk.f32 $0xffff, v2  }
0x2d: {  	v5 =	vpop (erf)  }
0x2e: {  	(xrf2) =	vadd.scan.msk.f32 $0xffff, v5  }
0x2f: {  	v6 =	vpop (erf)  }
0x30: {  	v7 =	vpop (erf);
	(xrf2) =	vadd.scan.msk.f32 $0xffff, v6  }
0x31: {  	v8, _, _ =	vpop (xrf2)  }
0x32: {  	(xrf2) =	vadd.scan.msk.f32 $0xffff, v7;
	(v2sf) =	vpush v8, $0xF;
	v8, _, _ =	vpop (xrf2)  }
0x33: {  	v9 =	vpop (erf);
	(v2sf) =	vpush v8, $0xF  }
0x34: {  	(xrf2) =	vadd.scan.msk.f32 $0xffff, v9;
	v8, _, _ =	vpop (xrf2)  }
0x35: {  	(v2sf) =	vpush v8, $0xF  }
0x36: {  	v8, _, _ =	vpop (xrf2)  }
0x37: {  	(v2sf) =	vpush v8, $0xF  }
0x38: {  	v8, _, _ =	vpop (xrf2)  }
0x39: {  	(v2sf) =	vpush v8, $0xF  }
0x3a: {  	v8, _, _ =	vpop (xrf2)  }
0x3b: {  	(v2sf) =	vpush v8, $0xF  }
0x3c: {  	v8, _, _ =	vpop (xrf2)  }
0x3d: {  	(v2sf) =	vpush v8, $0xF  }
0x3e: {  	v8, _, _ =	vpop (xrf2)  }
0x3f: {  	(v2sf) =	vpush v8, $0xF;
	_ =	sdelay $0x1  }
0x40: {  	s18 =	spop (v2sf)  }
0x41: {  	s19 =	spop (v2sf)  }
0x42: {  	s18 =	sadd.f32 s19, s18  }
0x43: {  	v8 =	vld [tilespmem:$0x80];
	s21 =	spop (v2sf)  }
0x44: {  	v10 =	vld [tilespmem:$0x90];
	s18 =	sadd.f32 s21, s18  }
0x45: {  	v11 =	vld [tilespmem:$0xA0];
	s22 =	spop (v2sf)  }
0x46: {  	v12 =	vld [tilespmem:$0xB0];
	s18 =	sadd.f32 s22, s18  }
0x47: {  	v13 =	vld [tilespmem:$0xC0];
	s23 =	spop (v2sf)  }
0x48: {  	v14 =	vld [tilespmem:$0xD0];
	v8 =	vmul.f32 $1.442695020e+00, v8;
	s18 =	sadd.f32 s23, s18  }
0x49: {  	v15 =	vld [tilespmem:$0xE0];
	v10 =	vmul.f32 $1.442695020e+00, v10;
	s24 =	spop (v2sf)  }
0x4a: {  	(erf) = vpow2.f32 v8;
	v8 =	vmul.f32 $1.442695020e+00, v11;
	v11 =	vld [tilespmem:$0xF0];
	s18 =	sadd.f32 s24, s18  }
0x4b: {  	(erf) = vpow2.f32 v10;
	v10 =	vmul.f32 $1.442695020e+00, v12;
	s25 =	spop (v2sf)  }
0x4c: {  	(erf) = vpow2.f32 v8;
	v8 =	vmul.f32 $1.442695020e+00, v13;
	s18 =	sadd.f32 s25, s18  }
0x4d: {  	(erf) = vpow2.f32 v10;
	v10 =	vmul.f32 $1.442695020e+00, v14;
	s26 =	spop (v2sf)  }
0x4e: {  	(erf) = vpow2.f32 v8;
	v8 =	vmul.f32 $1.442695020e+00, v15;
	s18 =	sadd.f32 s26, s18  }
0x4f: {  	(erf) = vpow2.f32 v10;
	v10 =	vmul.f32 $1.442695020e+00, v11  }
0x50: {  	(erf) = vpow2.f32 v8;
	v8 =	vmov s18  }
0x51: {  	(erf) = vpow2.f32 v10  }
0x52: {  	(erf) = vrcp.f32 v8  }
0x53: {  	v8 =	vpop (erf)  }
0x54: {  	v10 =	vpop (erf)  }
0x55: {  	v11 =	vpop (erf)  }
0x56: {  	v12 =	vpop (erf)  }
0x57: {  	v13 =	vpop (erf)  }
0x58: {  	v14 =	vpop (erf)  }
0x59: {  	v15 =	vpop (erf)  }
0x5a: {  	v16 =	vpop (erf)  }
0x5b: {  	v17 =	vpop (erf)  }
0x5c: {  	v4 =	vmul.f32 v17, v4  }
0x5d: {  	v1 =	vmul.f32 v17, v1  }
0x5e: {  	v3 =	vmul.f32 v17, v3;
	v4 =	vadd.f32 $1.000000050e-03, v4  }
0x5f: {  	v18 =	vadd.f32 $1.000000050e-03, v1;
	v1 =	vmul.f32 v17, v2  }
0x60: {  	v3 =	vadd.f32 $1.000000050e-03, v3;
	v2 =	vmul.f32 v17, v5;
	(xrf2) =	vadd.scan.msk.f32 $0xffff, v4  }
0x61: {  	v5 =	vadd.f32 $1.000000050e-03, v1;
	v1 =	vmul.f32 v17, v6;
	(xrf2) =	vadd.scan.msk.f32 $0xffff, v18  }
0x62: {  	v6 =	vadd.f32 $1.000000050e-03, v2;
	v2 =	vmul.f32 v17, v7;
	(xrf2) =	vadd.scan.msk.f32 $0xffff, v3  }
0x63: {  	v7 =	vadd.f32 $1.000000050e-03, v1;
	v1 =	vmul.f32 v17, v9;
	(xrf2) =	vadd.scan.msk.f32 $0xffff, v5  }
0x64: {  	v9 =	vadd.f32 $1.000000050e-03, v2;
	(xrf2) =	vadd.scan.msk.f32 $0xffff, v6  }
0x65: {  	v1 =	vadd.f32 $1.000000050e-03, v1;
	(xrf2) =	vadd.scan.msk.f32 $0xffff, v7  }
0x66: {  	v8 =	vadd.f32 $1.000000050e-03, v8;
	(xrf2) =	vadd.scan.msk.f32 $0xffff, v9  }
0x67: {  	v10 =	vadd.f32 $1.000000050e-03, v10;
	(xrf2) =	vadd.scan.msk.f32 $0xffff, v1  }
0x68: {  	(xrf2) =	vadd.scan.msk.f32 $0xffff, v8  }
0x69: {  	v11 =	vadd.f32 $1.000000050e-03, v11;
	(xrf2) =	vadd.scan.msk.f32 $0xffff, v10  }
0x6a: {  	v2, _, _ =	vpop (xrf2)  }
0x6b: {  	v12 =	vadd.f32 $1.000000050e-03, v12;
	(v2sf) =	vpush v2, $0xF;
	v2, _, _ =	vpop (xrf2);
	(xrf2) =	vadd.scan.msk.f32 $0xffff, v11  }
0x6c: {  	v17, _, _ =	vpop (xrf2);
	(v2sf) =	vpush v2, $0xF  }
0x6d: {  	v13 =	vadd.f32 $1.000000050e-03, v13;
	(v2sf) =	vpush v17, $0xF;
	v2, _, _ =	vpop (xrf2);
	(xrf2) =	vadd.scan.msk.f32 $0xffff, v12  }
0x6e: {  	(v2sf) =	vpush v2, $0xF;
	v2, _, _ =	vpop (xrf2)  }
0x6f: {  	v14 =	vadd.f32 $1.000000050e-03, v14;
	(xrf2) =	vadd.scan.msk.f32 $0xffff, v13;
	(v2sf) =	vpush v2, $0xF;
	v2, _, _ =	vpop (xrf2)  }
0x70: {  	(v2sf) =	vpush v2, $0xF;
	v2, _, _ =	vpop (xrf2)  }
0x71: {  	v15 =	vadd.f32 $1.000000050e-03, v15;
	(xrf2) =	vadd.scan.msk.f32 $0xffff, v14;
	(v2sf) =	vpush v2, $0xF;
	v2, _, _ =	vpop (xrf2)  }
0x72: {  	(v2sf) =	vpush v2, $0xF;
	v17, _, _ =	vpop (xrf2)  }
0x73: {  	(xrf2) =	vadd.scan.msk.f32 $0xffff, v15;
	v2 =	vadd.f32 $1.000000050e-03, v16;
	(v2sf) =	vpush v17, $0xF;
	v16, _, _ =	vpop (xrf2)  }
0x74: {  	(v2sf) =	vpush v16, $0xF  }
0x75: {  	(xrf2) =	vadd.scan.msk.f32 $0xffff, v2;
	v16, _, _ =	vpop (xrf2)  }
0x76: {  	(v2sf) =	vpush v16, $0xF  }
0x77: {  	v16, _, _ =	vpop (xrf2)  }
0x78: {  	(v2sf) =	vpush v16, $0xF  }
0x79: {  	v16, _, _ =	vpop (xrf2)  }
0x7a: {  	s29 =	spop (v2sf);
	(v2sf) =	vpush v16, $0xF  }
0x7b: {  	v16, _, _ =	vpop (xrf2);
	s30 =	spop (v2sf)  }
0x7c: {  	s20 =	spop (v2sf);
	(v2sf) =	vpush v16, $0xF  }
0x7d: {  	v16, _, _ =	vpop (xrf2);
	s21 =	spop (v2sf)  }
0x7e: {  	s22 =	spop (v2sf);
	(v2sf) =	vpush v16, $0xF  }
0x7f: {  	v16, _, _ =	vpop (xrf2);
	s23 =	spop (v2sf)  }
0x80: {  	s24 =	spop (v2sf);
	(v2sf) =	vpush v16, $0xF  }
0x81: {  	s25 =	spop (v2sf)  }
0x82: {  	s26 =	spop (v2sf)  }
0x83: {  	s18 =	sadd.f32 s30, s29;
	s31 =	spop (v2sf)  }
0x84: {  	s19 =	sadd.f32 s31, s26  }
0x85: {  	s18 =	sadd.f32 s18, s20;
	s26 =	spop (v2sf)  }
0x86: {  	s19 =	sadd.f32 s26, s19  }
0x87: {  	s18 =	sadd.f32 s18, s21;
	s29 =	spop (v2sf)  }
0x88: {  	s19 =	sadd.f32 s29, s19  }
0x89: {  	s18 =	sadd.f32 s18, s22;
	s30 =	spop (v2sf)  }
0x8a: {  	s19 =	sadd.f32 s30, s19  }
0x8b: {  	s18 =	sadd.f32 s18, s23;
	s31 =	spop (v2sf)  }
0x8c: {  	s19 =	sadd.f32 s31, s19  }
0x8d: {  	s18 =	sadd.f32 s18, s24;
	s21 =	spop (v2sf)  }
0x8e: {  	s19 =	sadd.f32 s21, s19  }
0x8f: {  	s18 =	sadd.f32 s18, s25;
	s22 =	spop (v2sf)  }
0x90: {  	s19 =	sadd.f32 s22, s19  }
0x91: {  	v16 =	vmov s18  }
0x92: {  	(erf) = vrcp.f32 v16;
	v16 =	vmov s19  }
0x93: {  	(erf) = vrcp.f32 v16;
	_ =	sdelay $0x7  }
0x94: {  	v16 =	vpop (erf)  }
0x95: {  	v4 =	vmul.f32 v16, v4;
	v17 =	vpop (erf)  }
0x96: {  	v8 =	vmul.f32 v17, v8  }
0x97: {  	(xrf2) =	vadd.scan.msk.f32 $0xffff, v4  }
0x98: {  	(xrf2) =	vadd.scan.msk.f32 $0xffff, v8;
	_ =	sdelay $0x1  }
0x99: {  	v18 =	vmul.f32 v16, v18  }
0x9a: {  	v10 =	vmul.f32 v17, v10  }
0x9b: {  	(xrf2) =	vadd.scan.msk.f32 $0xffff, v18  }
0x9c: {  	v3 =	vmul.f32 v16, v3;
	(xrf2) =	vadd.scan.msk.f32 $0xffff, v10;
	_ =	sdelay $0x1  }
0x9d: {  	v11 =	vmul.f32 v17, v11;
	(xrf2) =	vadd.scan.msk.f32 $0xffff, v3  }
0x9e: {  	v5 =	vmul.f32 v16, v5  }
0x9f: {  	v19, _, _ =	vpop (xrf2);
	(xrf2) =	vadd.scan.msk.f32 $0xffff, v11  }
0xa0: {  	v12 =	vmul.f32 v17, v12;
	(v2sf) =	vpush v19, $0xF;
	(xrf2) =	vadd.scan.msk.f32 $0xffff, v5;
	v20, _, _ =	vpop (xrf2)  }
0xa1: {  	(v2sf) =	vpush v20, $0xF  }
0xa2: {  	v6 =	vmul.f32 v16, v6;
	(xrf2) =	vadd.scan.msk.f32 $0xffff, v12  }
0xa3: {  	v13 =	vmul.f32 v17, v13  }
0xa4: {  	(erf) = vrcp.f32 v4;
	(xrf2) =	vadd.scan.msk.f32 $0xffff, v6;
	v21, _, _ =	vpop (xrf2)  }
0xa5: {  	(xrf2) =	vadd.scan.msk.f32 $0xffff, v13;
	(v2sf) =	vpush v21, $0xF;
	v22, _, _ =	vpop (xrf2)  }
0xa6: {  	(v2sf) =	vpush v22, $0xF  }
0xa7: {  	v7 =	vmul.f32 v16, v7;
	(erf) = vrcp.f32 v18;
	v23, _, _ =	vpop (xrf2)  }
0xa8: {  	v14 =	vmul.f32 v17, v14;
	(v2sf) =	vpush v23, $0xF  }
0xa9: {  	v9 =	vmul.f32 v16, v9;
	(xrf2) =	vadd.scan.msk.f32 $0xffff, v7;
	v24, _, _ =	vpop (xrf2)  }
0xaa: {  	(xrf2) =	vadd.scan.msk.f32 $0xffff, v14;
	v25, _, _ =	vpop (xrf2);
	(v2sf) =	vpush v24, $0xF  }
0xab: {  	v15 =	vmul.f32 v17, v15;
	(xrf2) =	vadd.scan.msk.f32 $0xffff, v9;
	(v2sf) =	vpush v25, $0xF  }
0xac: {  	v4 =	vsub.f32 v19, v4;
	v19, _, _ =	vpop (xrf2)  }
0xad: {  	(erf) = vrcp.f32 v3;
	v26 =	vpop (erf);
	(xrf2) =	vadd.scan.msk.f32 $0xffff, v15;
	(v2sf) =	vpush v19, $0xF  }
0xae: {  	v4 =	vadd.f32 $0.0e+00, v4;
	v27, _, _ =	vpop (xrf2)  }
0xaf: {  	v26 =	vmul.f32 v26, v8;
	v8 =	vsub.f32 v20, v8;
	(v2sf) =	vpush v27, $0xF;
	s23 =	spop (v2sf);
	v20, _, _ =	vpop (xrf2)  }
0xb0: {  	v18 =	vsub.f32 v21, v18;
	v21 =	vpop (erf);
	(erf) = vrcp.f32 v5;
	s19 =	sadd.f32 $0.0e+00, s23;
	(v2sf) =	vpush v20, $0xF;
	s24 =	spop (v2sf)  }
0xb1: {  	v29 =	vmul.f32 v4, v26;
	v22 =	vsub.f32 v22, v10;
	s18 =	sadd.f32 $0.0e+00, s24  }
0xb2: {  	v8 =	vadd.f32 $0.0e+00, v8;
	v10 =	vmul.f32 v21, v10;
	v3 =	vsub.f32 v23, v3  }
0xb3: {  	(erf) = vrcp.f32 v6;
	v28, _, _ =	vpop (xrf2);
	v18 =	vadd.f32 s19, v18;
	v22 =	vadd.f32 s18, v22  }
0xb4: {  	v1 =	vmul.f32 v16, v1;
	[tilespmem:$0x300] =	vst v26;
	v8 =	vsub.f32 v8, v29;
	v21, _, _ =	vpop (xrf2);
	(v2sf) =	vpush v28, $0xF;
	s25 =	spop (v2sf)  }
0xb5: {  	[tilespmem:$0x100] =	vst v4;
	v5 =	vsub.f32 v25, v5;
	v26 =	vmul.f32 v18, v10;
	v29, _, _ =	vpop (xrf2);
	(v2sf) =	vpush v21, $0xF;
	s20 =	sadd.f32 s19, s25;
	s26 =	spop (v2sf)  }
0xb6: {  	v4 =	vpop (erf);
	(erf) = vrcp.f32 v7;
	[tilespmem:$0x311] =	vst v10;
	v10 =	vsub.f32 v24, v11;
	(v2sf) =	vpush v29, $0xF;
	s18 =	sadd.f32 s18, s26  }
0xb7: {  	v4 =	vmul.f32 v4, v11;
	[tilespmem:$0x200] =	vst v8;
	s29 =	spop (v2sf);
	v3 =	vadd.f32 s20, v3;
	v8 =	vsub.f32 v22, v26;
	v22, _, _ =	vpop (xrf2)  }
0xb8: {  	v2 =	vmul.f32 v17, v2;
	s21 =	sadd.f32 s20, s29;
	v10 =	vadd.f32 s18, v10;
	(v2sf) =	vpush v22, $0xF  }
0xb9: {  	(erf) = vrcp.f32 v9;
	v11 =	vpop (erf);
	s30 =	spop (v2sf);
	[tilespmem:$0x211] =	vst v8;
	v8 =	vmul.f32 v3, v4  }
0xba: {  	[tilespmem:$0x322] =	vst v4;
	s31 =	spop (v2sf);
	s18 =	sadd.f32 s18, s30;
	v5 =	vadd.f32 s21, v5;
	v4 =	vmul.f32 v11, v12;
	v11 =	vsub.f32 v19, v12  }
0xbb: {  	v6 =	vsub.f32 v27, v6;
	(xrf2) =	vadd.scan.msk.f32 $0xffff, v1;
	(erf) = vrcp.f32 v1;
	s22 =	sadd.f32 s21, s31;
	v8 =	vsub.f32 v10, v8  }
0xbc: {  	s24 =	spop (v2sf);
	[tilespmem:$0x122] =	vst v3;
	(xrf2) =	vadd.scan.msk.f32 $0xffff, v2;
	v10 =	vpop (erf);
	v3 =	vadd.f32 s18, v11;
	v11 =	vmul.f32 v5, v4  }
0xbd: {  	v6 =	vadd.f32 s22, v6;
	s18 =	sadd.f32 s18, s24;
	[tilespmem:$0x222] =	vst v8;
	v8 =	vmul.f32 v10, v13;
	v10 =	vsub.f32 v20, v13  }
0xbe: {  	s25 =	spop (v2sf);
	[tilespmem:$0x133] =	vst v5;
	v3 =	vsub.f32 v3, v11  }
0xbf: {  	s23 =	sadd.f32 s22, s25;
	[tilespmem:$0x333] =	vst v4;
	v4 =	vsub.f32 v28, v7;
	v7 =	vpop (erf);
	s26 =	spop (v2sf);
	v5 =	vadd.f32 s18, v10;
	v10 =	vmul.f32 v6, v8  }
0xc0: {  	[tilespmem:$0x233] =	vst v3;
	s18 =	sadd.f32 s18, s26;
	v3 =	vmul.f32 v7, v14;
	v7 =	vsub.f32 v21, v14  }
0xc1: {  	[tilespmem:$0x144] =	vst v6;
	v4 =	vadd.f32 s23, v4;
	v5 =	vsub.f32 v5, v10  }
0xc2: {  	[tilespmem:$0x344] =	vst v8;
	v8 =	vsub.f32 v29, v9;
	v9 =	vpop (erf);
	v6 =	vadd.f32 s18, v7  }
0xc3: {  	s29 =	spop (v2sf);
	[tilespmem:$0x244] =	vst v5;
	v5 =	vmul.f32 v9, v15;
	v9 =	vsub.f32 v22, v15  }
0xc4: {  	v7 =	vmul.f32 v4, v3;
	s24 =	sadd.f32 s23, s29;
	s30 =	spop (v2sf)  }
0xc5: {  	[tilespmem:$0x111] =	vst v18;
	v10, _, _ =	vpop (xrf2);
	s31 =	spop (v2sf);
	s18 =	sadd.f32 s18, s30  }
0xc6: {  	[tilespmem:$0x355] =	vst v3;
	v3 =	vsub.f32 v6, v7;
	s25 =	sadd.f32 s24, s31;
	v1 =	vsub.f32 v10, v1;
	v6 =	vpop (erf)  }
0xc7: {  	[tilespmem:$0x155] =	vst v4;
	v8 =	vadd.f32 s24, v8;
	v4 =	vadd.f32 s18, v9;
	v9, _, _ =	vpop (xrf2);
	s29 =	spop (v2sf)  }
0xc8: {  	[tilespmem:$0x255] =	vst v3;
	v3 =	vmul.f32 v6, v2;
	v1 =	vadd.f32 s25, v1;
	v2 =	vsub.f32 v9, v2;
	s18 =	sadd.f32 s18, s29  }
0xc9: {  	[tilespmem:$0x366] =	vst v5;
	v7 =	vmul.f32 v8, v5  }
0xca: {  	[tilespmem:$0x166] =	vst v8;
	v5 =	vmul.f32 v1, v3;
	v2 =	vadd.f32 s18, v2  }
0xcb: {  	v4 =	vsub.f32 v4, v7;
	[tilespmem:$0x377] =	vst v3  }
0xcc: {  	[tilespmem:$0x177] =	vst v1;
	v2 =	vsub.f32 v2, v5  }
0xcd: {  	[tilespmem:$0x266] =	vst v4  }
0xce: {  	s28 =	sand.u32 $0x380, s4;
	[tilespmem:$0x277] =	vst v2  }
0xcf: {  	s30 =	simm.s32 $0x0;
	s31 =	sand.u32 $0x400, s4;
	_ =	swait.ge [sflag:s11], $0x800  }
0xd0: {  	s26 =	sor.u32 s28, s31;
	s18 =	sand.u32 $0x60, s30;
	[sflag:s11] =	ssyncset.done $0x0  }
0xd1: {  	s18 =	sor.u32 s18, s26;
	[sflag:s11] =	ssyncadd.s32 $0xFFFFF800  }
0xd2: {  	v11 =	vld [tilespmem:s18+$0x410];
	_ =	sdelay $0x3  }
0xd3: {  	v3 =	vmov s22  }
0xd4: {  	v4 =	vmov s20;
	v5 =	vmov s24;
	vm0 =	vle.f32 v3, v11  }
0xd5: {  	v6 =	vmov s19;
	v8 =	vmov s23;
	v1 =	vsel vm0, v5, v4  }
0xd6: {  	v7 =	vmov s21;
	v9 =	vmov s25;
	vm1 =	vle.f32 v1, v11  }
0xd7: {  	v1 =	vsel vm1, v7, v6;
	v2 =	vsel vm1, v9, v8  }
0xd8: {  	v1 =	vsel vm0, v2, v1  }
0xd9: {  	v2 =	vsel vm0, $0x40, v0;
	vm12 =	vle.f32 v1, v11;
	v1 =	vsel vm1, $0x20, v0  }
0xda: {  	v1 =	vor.u32 v2, v1;
	v2 =	vsel vm12, $0x10, v0  }
0xdb: {  	v1 =	vor.u32 v2, v1  }
0xdc: {  	v2 =	vor.u32 $0x8, v1;
	v10 =	vshrl.u32 v1, $0x4  }
0xdd: {  	v10 =	vor.u32 v10, v2;
	_ =	sdelay $0x2  }
0xde: {  	s29 =	simm.s32 $0x100;
	s26 =	simm.s32 $0x10  }
0xdf: {  	s20 =	sand.u32 $0x400, s29;
	s30 =	simm.s32 $0x20;
	s19 =	sand.u32 $0x380, s26  }
0xe0: {  	s21 =	sand.u32 $0x60, s30;
	s19 =	sor.u32 s19, s20;
	v10 =	vld.idx.msk [tilespmem:v10+s12+$0x0], $0xffff  }
0xe1: {  	s19 =	sor.u32 s21, s19  }
0xe2: {  	v13 =	vld [tilespmem:s19+$0x410];
	_ =	sdelay $0x1  }
0xe3: {  	v15 =	vld [tilespmem:s18+$0x400]  }
0xe4: {  	vm13 =	vle.f32 v10, v11  }
0xe5: {  	v2 =	vsel vm13, v2, v1  }
0xe6: {  	vm14 =	vle.f32 v3, v13;
	v10 =	vor.u32 $0x4, v2;
	v1 =	vshrl.u32 v2, $0x4  }
0xe7: {  	v12 =	vsel vm14, v5, v4;
	v1 =	vadd.s32 v1, v10  }
0xe8: {  	vm15 =	vle.f32 v3, v15;
	vm2 =	vle.f32 v12, v13  }
0xe9: {  	v12 =	vsel vm15, v5, v4;
	v14 =	vsel vm2, v7, v6;
	v16 =	vsel vm2, v9, v8  }
0xea: {  	vm3 =	vle.f32 v12, v15;
	v12 =	vsel vm14, v16, v14  }
0xeb: {  	v14 =	vsel vm14, $0x40, v0;
	vm4 =	vle.f32 v12, v13;
	v12 =	vsel vm2, $0x20, v0  }
0xec: {  	v16 =	vsel vm15, $0x40, v0;
	v17 =	vld.idx.msk [tilespmem:v1+s12+$0x0], $0xffff;
	v1 =	vor.u32 v14, v12;
	v12 =	vsel vm4, $0x10, v0  }
0xed: {  	v18 =	vsel vm3, v9, v8;
	v14 =	vsel vm3, v7, v6;
	v12 =	vor.u32 v12, v1  }
0xee: {  	v1 =	vsel vm15, v18, v14;
	v14 =	vor.u32 $0x8, v12;
	v18 =	vshrl.u32 v12, $0x4  }
0xef: {  	v19 =	vsel vm3, $0x20, v0;
	vm5 =	vle.f32 v1, v15;
	v18 =	vor.u32 v18, v14  }
0xf0: {  	v16 =	vor.u32 v16, v19;
	v1 =	vld [tilespmem:s19+$0x400];
	v19 =	vsel vm5, $0x10, v0  }
0xf1: {  	v19 =	vor.u32 v19, v16  }
0xf2: {  	vm6 =	vle.f32 v17, v11;
	v17 =	vor.u32 $0x8, v19;
	v16 =	vshrl.u32 v19, $0x4  }
0xf3: {  	s31 =	simm.s32 $0x20;
	s22 =	simm.s32 $0x200;
	v10 =	vsel vm6, v10, v2;
	v2 =	vor.u32 v16, v17  }
0xf4: {  	s23 =	simm.s32 $0x40;
	s20 =	sand.u32 $0x380, s31;
	s21 =	sand.u32 $0x400, s22;
	v20 =	vadd.s32 $0x2, v10;
	v18 =	vld.idx.msk [tilespmem:v18+s12+$0x0], $0xffff  }
0xf5: {  	s22 =	sand.u32 $0x60, s23;
	s20 =	sor.u32 s20, s21;
	vm7 =	vle.f32 v3, v1;
	v16 =	vshrl.u32 v20, $0x4  }
0xf6: {  	s20 =	sor.u32 s22, s20;
	v21 =	vadd.s32 v20, v16;
	v16 =	vsel vm7, v5, v4  }
0xf7: {  	vm8 =	vle.f32 v16, v1;
	v16 =	vld [tilespmem:s20+$0x410]  }
0xf8: {  	v24 =	vsel vm7, $0x40, v0;
	v2 =	vld.idx.msk [tilespmem:v2+s12+$0x0], $0xffff;
	v22 =	vsel vm8, v7, v6;
	v23 =	vsel vm8, v9, v8  }
0xf9: {  	v22 =	vsel vm7, v23, v22;
	vm9 =	vle.f32 v18, v13;
	v18 =	vsel vm8, $0x20, v0  }
0xfa: {  	vm10 =	vle.f32 v22, v1;
	v12 =	vsel vm9, v14, v12;
	v14 =	vor.u32 v24, v18  }
0xfb: {  	v21 =	vld.idx.msk [tilespmem:v21+s12+$0x0], $0xffff;
	v23 =	vsel vm10, $0x10, v0;
	v18 =	vor.u32 $0x4, v12;
	v22 =	vshrl.u32 v12, $0x4  }
0xfc: {  	vm11 =	vle.f32 v3, v16;
	v14 =	vor.u32 v23, v14;
	v22 =	vadd.s32 v22, v18  }
0xfd: {  	vm12 =	vle.f32 v2, v15;
	v2 =	vsel vm11, v5, v4;
	v23 =	vor.u32 $0x8, v14  }
0xfe: {  	v24 =	vshrl.u32 v14, $0x4;
	vm13 =	vle.f32 v2, v16;
	v17 =	vsel vm12, v17, v19  }
0xff: {  	v24 =	vor.u32 v24, v23;
	v25 =	vsel vm13, v9, v8;
	v27 =	vor.u32 $0x4, v17  }
0x100: {  	v28 =	vshrl.u32 v17, $0x4;
	vm14 =	vle.f32 v21, v11;
	v21 =	vsel vm13, v7, v6  }
0x101: {  	v2 =	vld [tilespmem:s20+$0x400];
	v28 =	vadd.s32 v28, v27;
	v10 =	vsel vm14, v20, v10;
	v20 =	vsel vm11, v25, v21  }
0x102: {  	v21 =	vsel vm11, $0x40, v0;
	v22 =	vld.idx.msk [tilespmem:v22+s12+$0x0], $0xffff;
	vm15 =	vle.f32 v20, v16;
	v20 =	vsel vm13, $0x20, v0  }
0x103: {  	v25 =	vadd.s32 $0x1, v10;
	v20 =	vor.u32 v21, v20;
	v21 =	vsel vm15, $0x10, v0  }
0x104: {  	v19 =	vshrl.u32 v25, $0x4;
	v20 =	vor.u32 v21, v20  }
0x105: {  	v19 =	vadd.s32 v25, v19;
	v21 =	vor.u32 $0x8, v20;
	v26 =	vshrl.u32 v20, $0x4  }
0x106: {  	vm4 =	vle.f32 v3, v2;
	v26 =	vor.u32 v26, v21  }
0x107: {  	vm5 =	vle.f32 v22, v13;
	v22 =	vld.idx.msk [tilespmem:v24+s12+$0x0], $0xffff;
	v24 =	vsel vm4, v5, v4  }
0x108: {  	v28 =	vld.idx.msk [tilespmem:v28+s12+$0x0], $0xffff;
	v12 =	vsel vm5, v18, v12;
	vm6 =	vle.f32 v24, v2  }
0x109: {  	v24 =	vadd.s32 $0x2, v12;
	v18 =	vsel vm6, v7, v6;
	v29 =	vsel vm6, v9, v8  }
0x10a: {  	v19 =	vld.idx.msk [tilespmem:v19+s12+$0x0], $0xffff;
	v31 =	vsel vm6, $0x20, v0;
	v30 =	vshrl.u32 v24, $0x4;
	v18 =	vsel vm4, v29, v18  }
0x10b: {  	s25 =	simm.s32 $0x300;
	s24 =	simm.s32 $0x30;
	v26 =	vld.idx.msk [tilespmem:v26+s12+$0x0], $0xffff;
	v29 =	vadd.s32 v24, v30;
	v30 =	vsel vm4, $0x40, v0;
	vm7 =	vle.f32 v18, v2  }
0x10c: {  	s26 =	simm.s32 $0x60;
	s21 =	sand.u32 $0x380, s24;
	s22 =	sand.u32 $0x400, s25;
	v18 =	vor.u32 v30, v31;
	v30 =	vsel vm7, $0x10, v0  }
0x10d: {  	s23 =	sand.u32 $0x60, s26;
	s21 =	sor.u32 s21, s22;
	vm11 =	vle.f32 v28, v15;
	vm8 =	vle.f32 v22, v1;
	v22 =	vor.u32 v30, v18  }
0x10e: {  	s21 =	sor.u32 s23, s21;
	v17 =	vsel vm11, v27, v17;
	v14 =	vsel vm8, v23, v14;
	v23 =	vor.u32 $0x8, v22  }
0x10f: {  	v18 =	vld [tilespmem:s21+$0x410];
	v30 =	vshrl.u32 v22, $0x4;
	vm9 =	vle.f32 v19, v11;
	v28 =	vor.u32 $0x4, v14  }
0x110: {  	v19 =	vor.u32 v30, v23;
	v25 =	vsel vm9, v25, v10;
	v29 =	vld.idx.msk [tilespmem:v29+s12+$0x0], $0xffff;
	vm10 =	vle.f32 v26, v16  }
0x111: {  	v10 =	vld [tilespmem:s21+$0x400];
	v30 =	vadd.s32 $0x2, v17;
	v26 =	vshrl.u32 v25, $0x4;
	v20 =	vsel vm10, v21, v20  }
0x112: {  	v21 =	vadd.s32 v25, v26;
	v25 =	vor.u32 $0x4, v20;
	v26 =	vshrl.u32 v20, $0x4  }
0x113: {  	v27 =	vshrl.u32 v14, $0x4;
	v31 =	vshrl.u32 v30, $0x4;
	v26 =	vadd.s32 v26, v25  }
0x114: {  	v27 =	vadd.s32 v27, v28;
	v31 =	vadd.s32 v30, v31;
	vm12 =	vle.f32 v3, v18  }
0x115: {  	v32 =	vsel vm12, v5, v4;
	v52 =	vsel vm12, $0x40, v0;
	vm14 =	vle.f32 v29, v13  }
0x116: {  	vm13 =	vle.f32 v3, v10;
	vm15 =	vle.f32 v32, v18;
	v12 =	vsel vm14, v24, v12  }
0x117: {  	v32 =	vsel vm15, v9, v8;
	v29 =	vld.idx.msk [tilespmem:v21+s14+$0x0], $0xffff;
	v24 =	vsel vm15, v7, v6;
	v33 =	vadd.s32 $0x1, v12  }
0x118: {  	v35 =	vsel vm13, v5, v4;
	v24 =	vsel vm12, v32, v24;
	v26 =	vld.idx.msk [tilespmem:v26+s12+$0x0], $0xffff;
	v34 =	vshrl.u32 v33, $0x4  }
0x119: {  	v19 =	vld.idx.msk [tilespmem:v19+s12+$0x0], $0xffff;
	vm6 =	vle.f32 v24, v18;
	v24 =	vsel vm15, $0x20, v0;
	v34 =	vadd.s32 v33, v34  }
0x11a: {  	vm7 =	vle.f32 v35, v10;
	v24 =	vor.u32 v52, v24;
	v53 =	vsel vm6, $0x10, v0  }
0x11b: {  	v35 =	vsel vm7, v7, v6;
	v36 =	vsel vm7, $0x20, v0;
	v24 =	vor.u32 v53, v24  }
0x11c: {  	v27 =	vld.idx.msk [tilespmem:v27+s12+$0x0], $0xffff;
	v11 =	vmul.f32 v29, v11;
	v29 =	vor.u32 $0x8, v24;
	v32 =	vshrl.u32 v24, $0x4  }
0x11d: {  	v21 =	vld.idx.msk [tilespmem:v21+s13+$0x0], $0xffff;
	v32 =	vor.u32 v32, v29;
	vm8 =	vle.f32 v26, v16;
	v26 =	vsel vm7, v9, v8  }
0x11e: {  	vm10 =	vle.f32 v19, v2;
	v20 =	vsel vm8, v25, v20;
	v26 =	vsel vm13, v26, v35;
	v34 =	vld.idx.msk [tilespmem:v34+s12+$0x0], $0xffff  }
0x11f: {  	v25 =	vsel vm13, $0x40, v0;
	v54 =	vadd.s32 $0x2, v20;
	vm9 =	vle.f32 v26, v10  }
0x120: {  	v25 =	vor.u32 v25, v36;
	v26 =	vshrl.u32 v54, $0x4;
	v55 =	vsel vm9, $0x10, v0  }
0x121: {  	s29 =	simm.s32 $0x40;
	s30 =	simm.s32 $0x400;
	v31 =	vld.idx.msk [tilespmem:v31+s12+$0x0], $0xffff;
	vm12 =	vle.f32 v27, v1;
	v37 =	vadd.s32 v54, v26;
	v19 =	vor.u32 v55, v25  }
0x122: {  	s31 =	simm.s32 $0x80;
	s22 =	sand.u32 $0x380, s29;
	s23 =	sand.u32 $0x400, s30;
	v26 =	vadd.f32 v11, v21;
	v21 =	vsel vm10, v23, v22;
	v23 =	vld.idx.msk [tilespmem:v32+s12+$0x0], $0xffff;
	v22 =	vor.u32 $0x8, v19  }
0x123: {  	s24 =	sand.u32 $0x60, s31;
	s22 =	sor.u32 s22, s23;
	v11 =	vshrl.u32 v19, $0x4;
	v56 =	vor.u32 $0x4, v21;
	vm11 =	vle.f32 v34, v13  }
0x124: {  	s22 =	sor.u32 s24, s22;
	v25 =	vor.u32 v11, v22;
	v11 =	vshrl.u32 v21, $0x4;
	v27 =	vsel vm11, v33, v12  }
0x125: {  	v28 =	vsel vm12, v28, v14;
	v12 =	vld [tilespmem:s22+$0x410];
	v57 =	vadd.s32 v11, v56;
	v11 =	vshrl.u32 v27, $0x4  }
0x126: {  	vm13 =	vle.f32 v31, v15;
	v31 =	vadd.s32 $0x2, v28;
	v27 =	vadd.s32 v27, v11;
	v11 =	vld [tilespmem:s22+$0x400]  }
0x127: {  	v17 =	vsel vm13, v30, v17;
	v30 =	vshrl.u32 v31, $0x4;
	v14 =	vld.idx.msk [tilespmem:v37+s12+$0x0], $0xffff;
	vm14 =	vle.f32 v23, v18  }
0x128: {  	v30 =	vadd.s32 v31, v30;
	v23 =	vadd.s32 $0x1, v17;
	v24 =	vsel vm14, v29, v24  }
0x129: {  	v29 =	vshrl.u32 v23, $0x4;
	v58 =	vor.u32 $0x4, v24;
	v59 =	vshrl.u32 v24, $0x4  }
0x12a: {  	v60 =	vadd.s32 v23, v29;
	v25 =	vld.idx.msk [tilespmem:v25+s12+$0x0], $0xffff;
	v29 =	vadd.s32 v59, v58;
	vm15 =	vle.f32 v3, v12  }
0x12b: {  	v38 =	vsel vm15, v5, v4;
	v63 =	vsel vm15, $0x40, v0;
	vm6 =	vle.f32 v3, v11  }
0x12c: {  	v61 =	vld.idx.msk [tilespmem:v27+s14+$0x0], $0xffff;
	vm7 =	vle.f32 v14, v16;
	vm8 =	vle.f32 v38, v12;
	v14 =	vsel vm6, v5, v4  }
0x12d: {  	v33 =	vld.idx.msk [tilespmem:v57+s12+$0x0], $0xffff;
	v20 =	vsel vm7, v54, v20;
	v62 =	vsel vm8, v7, v6;
	v38 =	vsel vm8, v9, v8  }
0x12e: {  	v27 =	vld.idx.msk [tilespmem:v27+s13+$0x0], $0xffff;
	v39 =	vadd.s32 $0x1, v20;
	v35 =	vsel vm15, v38, v62;
	vm10 =	vle.f32 v14, v11  }
0x12f: {  	v14 =	vsel vm6, $0x40, v0;
	vm12 =	vle.f32 v25, v10;
	v40 =	vshrl.u32 v39, $0x4  }
0x130: {  	v41 =	vld.idx.msk [tilespmem:v29+s12+$0x0], $0xffff;
	vm9 =	vle.f32 v35, v12;
	v29 =	vsel vm8, $0x20, v0;
	v44 =	vadd.s32 v39, v40  }
0x131: {  	v29 =	vor.u32 v63, v29;
	v45 =	vsel vm9, $0x10, v0;
	v13 =	vmul.f32 v61, v13  }
0x132: {  	v19 =	vsel vm12, v22, v19;
	vm13 =	vle.f32 v33, v2;
	v46 =	vor.u32 v45, v29  }
0x133: {  	v38 =	vor.u32 $0x8, v46;
	v47 =	vshrl.u32 v46, $0x4;
	v29 =	vadd.f32 v13, v27  }
0x134: {  	v13 =	vsel vm10, v7, v6;
	v27 =	vsel vm10, v9, v8;
	v40 =	vor.u32 v47, v38  }
0x135: {  	v49 =	vor.u32 $0x4, v19;
	v13 =	vsel vm6, v27, v13;
	vm11 =	vle.f32 v41, v18;
	v35 =	vld.idx.msk [tilespmem:v44+s12+$0x0], $0xffff  }
0x136: {  	v37 =	vld.idx.msk [tilespmem:v60+s12+$0x0], $0xffff;
	v27 =	vsel vm10, $0x20, v0;
	vm1 =	vle.f32 v13, v11;
	v24 =	vsel vm11, v58, v24  }
0x137: {  	v13 =	vor.u32 v14, v27;
	v14 =	vld.idx.msk [tilespmem:v30+s12+$0x0], $0xffff;
	v27 =	vsel vm1, $0x10, v0;
	v25 =	vadd.s32 $0x2, v24  }
0x138: {  	s26 =	simm.s32 $0x500;
	s25 =	simm.s32 $0x50;
	v32 =	vsel vm13, v56, v21;
	v27 =	vor.u32 v27, v13;
	v13 =	vshrl.u32 v25, $0x4  }
0x139: {  	s29 =	simm.s32 $0xA0;
	s23 =	sand.u32 $0x380, s25;
	s24 =	sand.u32 $0x400, s26;
	v22 =	vor.u32 $0x8, v27;
	v30 =	vshrl.u32 v27, $0x4;
	v48 =	vadd.s32 v25, v13;
	v40 =	vld.idx.msk [tilespmem:v40+s12+$0x0], $0xffff  }
0x13a: {  	s25 =	sand.u32 $0x60, s29;
	s23 =	sor.u32 s23, s24;
	v13 =	vshrl.u32 v19, $0x4;
	v30 =	vor.u32 v30, v22;
	vm14 =	vle.f32 v35, v16  }
0x13b: {  	s23 =	sor.u32 s25, s23;
	vm5 =	vle.f32 v37, v15;
	v42 =	vadd.s32 v13, v49;
	v13 =	vsel vm14, v39, v20  }
0x13c: {  	v17 =	vsel vm5, v23, v17;
	vm15 =	vle.f32 v14, v1;
	v14 =	vld [tilespmem:s23+$0x410];
	v21 =	vshrl.u32 v13, $0x4  }
0x13d: {  	v53 =	vshrl.u32 v17, $0x4;
	v20 =	vadd.s32 $0x2, v32;
	v21 =	vadd.s32 v13, v21;
	v13 =	vld [tilespmem:s23+$0x400]  }
0x13e: {  	v28 =	vsel vm15, v31, v28;
	v31 =	vshrl.u32 v20, $0x4;
	v34 =	vld.idx.msk [tilespmem:v48+s12+$0x0], $0xffff;
	vm4 =	vle.f32 v40, v12  }
0x13f: {  	v50 =	vadd.s32 $0x1, v28;
	v31 =	vadd.s32 v20, v31;
	v36 =	vsel vm4, v38, v46;
	v30 =	vld.idx.msk [tilespmem:v30+s12+$0x0], $0xffff  }
0x140: {  	v51 =	vshrl.u32 v50, $0x4;
	v42 =	vld.idx.msk [tilespmem:v42+s12+$0x0], $0xffff;
	v52 =	vor.u32 $0x4, v36;
	v38 =	vshrl.u32 v36, $0x4  }
0x141: {  	v35 =	vadd.s32 v50, v51;
	vm6 =	vle.f32 v3, v14;
	v23 =	vadd.s32 v38, v52  }
0x142: {  	v38 =	vadd.s32 v17, v53;
	v17 =	vsel vm6, v5, v4;
	vm7 =	vle.f32 v3, v13  }
0x143: {  	vm9 =	vle.f32 v17, v14;
	v54 =	vld.idx.msk [tilespmem:v21+s14+$0x0], $0xffff;
	vm8 =	vle.f32 v34, v18;
	v55 =	vsel vm7, v5, v4  }
0x144: {  	v21 =	vld.idx.msk [tilespmem:v21+s13+$0x0], $0xffff;
	v17 =	vsel vm8, v25, v24;
	v24 =	vsel vm9, v7, v6;
	v25 =	vsel vm9, v9, v8  }
0x145: {  	v31 =	vld.idx.msk [tilespmem:v31+s12+$0x0], $0xffff;
	vm13 =	vle.f32 v30, v11;
	vm14 =	vle.f32 v42, v10;
	v56 =	vadd.s32 $0x1, v17  }
0x146: {  	v35 =	vld.idx.msk [tilespmem:v35+s12+$0x0], $0xffff;
	v24 =	vsel vm6, v25, v24;
	v25 =	vsel vm6, $0x40, v0;
	vm11 =	vle.f32 v55, v13  }
0x147: {  	v43 =	vshrl.u32 v56, $0x4;
	vm10 =	vle.f32 v24, v14;
	v24 =	vsel vm9, $0x20, v0  }
0x148: {  	v23 =	vld.idx.msk [tilespmem:v23+s12+$0x0], $0xffff;
	v43 =	vadd.s32 v56, v43;
	v24 =	vor.u32 v25, v24;
	v25 =	vsel vm10, $0x10, v0  }
0x149: {  	v16 =	vmul.f32 v54, v16;
	v25 =	vor.u32 v25, v24;
	v24 =	vsel vm7, $0x40, v0  }
0x14a: {  	vm4 =	vle.f32 v31, v2;
	v57 =	vor.u32 $0x8, v25;
	v58 =	vshrl.u32 v25, $0x4  }
0x14b: {  	vm6 =	vle.f32 v35, v1;
	v44 =	vadd.f32 v16, v21;
	v16 =	vsel vm11, v7, v6  }
0x14c: {  	v21 =	vsel vm11, v9, v8;
	v39 =	vor.u32 v58, v57;
	v28 =	vsel vm6, v50, v28  }
0x14d: {  	v16 =	vsel vm7, v21, v16;
	v21 =	vsel vm11, $0x20, v0;
	vm12 =	vle.f32 v23, v12  }
0x14e: {  	vm1 =	vle.f32 v16, v13;
	v16 =	vor.u32 v24, v21;
	v21 =	vld.idx.msk [tilespmem:v43+s12+$0x0], $0xffff;
	v36 =	vsel vm12, v52, v36  }
0x14f: {  	s31 =	simm.s32 $0x600;
	s30 =	simm.s32 $0x60;
	v33 =	vshrl.u32 v28, $0x4;
	v23 =	vsel vm1, $0x10, v0;
	v30 =	vadd.s32 $0x2, v36  }
0x150: {  	s26 =	sand.u32 $0x400, s31;
	s24 =	sand.u32 $0x380, s30;
	s25 =	simm.s32 $0xC0;
	v31 =	vld.idx.msk [tilespmem:v38+s14+$0x0], $0xffff;
	v33 =	vadd.s32 v28, v33;
	v43 =	vor.u32 v23, v16;
	v16 =	vshrl.u32 v30, $0x4  }
0x151: {  	s24 =	sor.u32 s24, s26;
	s28 =	sand.u32 $0x60, s25;
	v23 =	vsel vm13, v22, v27;
	v45 =	vor.u32 $0x8, v43;
	v27 =	vld.idx.msk [tilespmem:v39+s12+$0x0], $0xffff;
	v59 =	vadd.s32 v30, v16  }
0x152: {  	s24 =	sor.u32 s28, s24;
	v22 =	vshrl.u32 v43, $0x4;
	v24 =	vor.u32 $0x4, v23;
	v16 =	vshrl.u32 v23, $0x4  }
0x153: {  	v60 =	vor.u32 v22, v45;
	v46 =	vadd.s32 v16, v24;
	v16 =	vld [tilespmem:s24+$0x410];
	vm15 =	vle.f32 v21, v18  }
0x154: {  	v21 =	vsel vm14, v49, v19;
	v19 =	vsel vm4, v20, v32;
	v17 =	vsel vm15, v56, v17  }
0x155: {  	v15 =	vmul.f32 v31, v15;
	v20 =	vadd.s32 $0x1, v19;
	v61 =	vshrl.u32 v17, $0x4  }
0x156: {  	v37 =	vld.idx.msk [tilespmem:v59+s12+$0x0], $0xffff;
	v32 =	vadd.s32 v17, v61;
	vm5 =	vle.f32 v27, v14;
	v17 =	vshrl.u32 v20, $0x4  }
0x157: {  	v22 =	vadd.s32 $0x2, v21;
	v34 =	vsel vm5, v57, v25;
	v63 =	vadd.s32 v20, v17  }
0x158: {  	v17 =	vld [tilespmem:s24+$0x400];
	vm7 =	vle.f32 v3, v16;
	v48 =	vor.u32 $0x4, v34;
	v25 =	vshrl.u32 v34, $0x4  }
0x159: {  	v62 =	vshrl.u32 v22, $0x4;
	v39 =	vld.idx.msk [tilespmem:v60+s12+$0x0], $0xffff;
	v31 =	vsel vm7, v5, v4;
	v25 =	vadd.s32 v25, v48  }
0x15a: {  	v27 =	vadd.s32 v22, v62;
	v52 =	vsel vm7, $0x40, v0;
	vm9 =	vle.f32 v31, v16  }
0x15b: {  	v49 =	vsel vm9, v7, v6;
	v53 =	vsel vm9, $0x20, v0;
	vm8 =	vle.f32 v37, v12;
	v31 =	vld.idx.msk [tilespmem:v32+s14+$0x0], $0xffff  }
0x15c: {  	v50 =	vsel vm9, v9, v8;
	v51 =	vld.idx.msk [tilespmem:v32+s13+$0x0], $0xffff;
	v32 =	vor.u32 v52, v53;
	v28 =	vsel vm8, v30, v36  }
0x15d: {  	vm10 =	vle.f32 v3, v17;
	v36 =	vsel vm7, v50, v49;
	v30 =	vadd.s32 $0x1, v28  }
0x15e: {  	vm15 =	vle.f32 v39, v13;
	vm11 =	vle.f32 v36, v16;
	v54 =	vld.idx.msk [tilespmem:v25+s12+$0x0], $0xffff;
	v55 =	vshrl.u32 v30, $0x4  }
0x15f: {  	v57 =	vsel vm10, v5, v4;
	v56 =	vsel vm11, $0x10, v0;
	v47 =	vadd.s32 v30, v55  }
0x160: {  	[tilespmem:s18+$0xC10] =	vst v26;
	v26 =	vld.idx.msk [tilespmem:v33+s14+$0x0], $0xffff;
	v61 =	vsel vm10, $0x40, v0;
	vm12 =	vle.f32 v57, v17;
	v36 =	vor.u32 v56, v32  }
0x161: {  	v25 =	vld.idx.msk [tilespmem:v38+s13+$0x0], $0xffff;
	v18 =	vmul.f32 v31, v18;
	v37 =	vor.u32 $0x8, v36;
	v58 =	vshrl.u32 v36, $0x4  }
0x162: {  	v32 =	vld.idx.msk [tilespmem:v46+s12+$0x0], $0xffff;
	v59 =	vsel vm12, v9, v8;
	v31 =	vsel vm12, v7, v6;
	v60 =	vor.u32 v58, v37  }
0x163: {  	v41 =	vadd.f32 v18, v51;
	v18 =	vsel vm10, v59, v31;
	v31 =	vld.idx.msk [tilespmem:v27+s12+$0x0], $0xffff;
	vm13 =	vle.f32 v54, v14  }
0x164: {  	v62 =	vsel vm12, $0x20, v0;
	vm14 =	vle.f32 v18, v17;
	v34 =	vsel vm13, v48, v34;
	v38 =	vld.idx.msk [tilespmem:v47+s12+$0x0], $0xffff  }
0x165: {  	[tilespmem:s19+$0xC10] =	vst v29;
	v40 =	vor.u32 v61, v62;
	v27 =	vld.idx.msk [tilespmem:v63+s12+$0x0], $0xffff;
	v29 =	vsel vm14, $0x10, v0;
	v35 =	vadd.s32 $0x2, v34  }
0x166: {  	[tilespmem:s20+$0xC10] =	vst v44;
	v39 =	vsel vm15, v45, v43;
	v18 =	vld.idx.msk [tilespmem:v33+s13+$0x0], $0xffff;
	v29 =	vor.u32 v29, v40;
	v63 =	vshrl.u32 v35, $0x4  }
0x167: {  	s26 =	simm.s32 $0x70;
	s28 =	simm.s32 $0x700;
	[tilespmem:s21+$0xC10] =	vst v41;
	v33 =	vor.u32 $0x8, v29;
	v42 =	vshrl.u32 v29, $0x4;
	v41 =	vld.idx.msk [tilespmem:v60+s12+$0x0], $0xffff;
	v40 =	vadd.s32 v35, v63  }
.LBB2_2:
0x168: {  	s25 =	sadd.s32 $0x20, s25;
	s29 =	sand.u32 $0x400, s28;
	s30 =	sand.u32 $0x380, s26;
	v42 =	vor.u32 v42, v33;
	v43 =	vor.u32 $0x4, v39;
	v44 =	vshrl.u32 v39, $0x4  }
0x169: {  	vm0 =	vle.f32 v32, v11;
	vm1 =	vle.f32 v38, v12;
	s31 =	sand.u32 $0x60, s25;
	s29 =	sor.u32 s30, s29;
	p0 =	slt.u32 s25, $0x7E0;
	v44 =	vadd.s32 v44, v43  }
0x16a: {  	v32 =	vsel vm0, v24, v23;
	v28 =	vsel vm1, v30, v28;
	vm0 =	vle.f32 v31, v10;
	v24 =	vmovc v43;
	s29 =	sor.u32 s31, s29  }
0x16b: {  	v23 =	vmovc v39;
	v30 =	vshrl.u32 v28, $0x4;
	v31 =	vsel vm0, v22, v21;
	v22 =	vadd.s32 $0x2, v32;
	v21 =	vmovc v32;
	v38 =	vld [tilespmem:s29+$0x410]  }
0x16c: {  	v32 =	vshrl.u32 v22, $0x4;
	v30 =	vadd.s32 v28, v30;
	v28 =	vadd.s32 $0x1, v31;
	v39 =	vld.idx.msk [tilespmem:v40+s12+$0x0], $0xffff  }
0x16d: {  	vm0 =	vle.f32 v41, v16;
	v41 =	vadd.s32 v22, v32;
	v32 =	vshrl.u32 v28, $0x4;
	v40 =	vld [tilespmem:s29+$0x400]  }
0x16e: {  	v43 =	vsel vm0, v37, v36;
	v36 =	vadd.s32 v28, v32;
	vm0 =	vle.f32 v27, v2;
	v42 =	vld.idx.msk [tilespmem:v42+s12+$0x0], $0xffff  }
0x16f: {  	v45 =	vor.u32 $0x4, v43;
	v27 =	vshrl.u32 v43, $0x4;
	v37 =	vsel vm0, v20, v19;
	v19 =	vmovc v31;
	v20 =	vmovc v28;
	v32 =	vld.idx.msk [tilespmem:v44+s12+$0x0], $0xffff  }
0x170: {  	v46 =	vmul.f32 v26, v1;
	v1 =	vmovc v2;
	v2 =	vmovc v10;
	v44 =	vadd.s32 v27, v45;
	v27 =	vshrl.u32 v37, $0x4  }
0x171: {  	v10 =	vadd.f32 v15, v25;
	vm1 =	vle.f32 v3, v38;
	v37 =	vadd.s32 v37, v27;
	v47 =	vld.idx.msk [tilespmem:v30+s14+$0x0], $0xffff  }
0x172: {  	v15 =	vsel vm1, v5, v4;
	vm2 =	vle.f32 v39, v14;
	vm0 =	vle.f32 v3, v40;
	v31 =	vld.idx.msk [tilespmem:v41+s12+$0x0], $0xffff  }
0x173: {  	vm3 =	vle.f32 v15, v38;
	v28 =	vsel vm2, v35, v34;
	v25 =	vsel vm0, v5, v4;
	v15 =	vld.idx.msk [tilespmem:v30+s13+$0x0], $0xffff  }
0x174: {  	v26 =	vsel vm3, v7, v6;
	v34 =	vsel vm3, v9, v8;
	v30 =	vadd.s32 $0x1, v28;
	v27 =	vld.idx.msk [tilespmem:v36+s12+$0x0], $0xffff;
	[tilespmem:s18+$0xC00] =	vst v10;
	s18 =	smov.u32 s19;
	s19 =	smov.u32 s20;
	s20 =	smov.u32 s21  }
0x175: {  	v26 =	vsel vm1, v34, v26;
	v34 =	vsel vm1, $0x40, v0;
	v36 =	vshrl.u32 v30, $0x4;
	v10 =	vmovc v11;
	v11 =	vmovc v13;
	s21 =	smov.u32 s22;
	s22 =	smov.u32 s23;
	s23 =	smov.u32 s24;
	v35 =	vld.idx.msk [tilespmem:v44+s12+$0x0], $0xffff  }
0x176: {  	v39 =	vsel vm3, $0x20, v0;
	v13 =	vmovc v17;
	s24 =	smov.u32 s29;
	vm1 =	vle.f32 v26, v38;
	v41 =	vadd.s32 v30, v36;
	v26 =	vld.idx.msk [tilespmem:v37+s14+$0x0], $0xffff  }
0x177: {  	v48 =	vor.u32 v34, v39;
	v34 =	vsel vm1, $0x10, v0;
	v39 =	vmul.f32 v47, v12;
	v12 =	vmovc v14;
	v44 =	vld.idx.msk [tilespmem:v37+s13+$0x0], $0xffff  }
0x178: {  	vm1 =	vle.f32 v25, v40;
	v47 =	vsel vm0, $0x40, v0;
	v14 =	vmovc v16;
	v16 =	vmovc v38;
	v36 =	vor.u32 v34, v48  }
0x179: {  	v17 =	vmovc v40;
	v37 =	vor.u32 $0x8, v36;
	v48 =	vshrl.u32 v36, $0x4;
	v34 =	vadd.f32 v39, v15;
	v15 =	vmovc v46  }
0x17a: {  	v25 =	vmovc v18;
	v38 =	vsel vm1, v7, v6;
	v39 =	vsel vm1, v9, v8;
	v40 =	vor.u32 v48, v37  }
.Ltmp0:
0x17b: {  	v46 =	vsel vm0, v39, v38;
	v39 =	vsel vm1, $0x20, v0;
	vm0 =	vle.f32 v35, v14;
	v38 =	vld.idx.msk [tilespmem:v41+s12+$0x0], $0xffff;
	[tilespmem:s21+$0xC10] =	vst v34;
	(pc) =	sbr.rel @p0 .LBB2_2-.Ltmp0, $4  }
0x17c: {  	vm1 =	vle.f32 v46, v17;
	v41 =	vor.u32 v47, v39;
	v34 =	vsel vm0, v45, v43  }
0x17d: {  	v43 =	vsel vm1, $0x10, v0;
	vm0 =	vle.f32 v42, v13;
	v35 =	vadd.s32 $0x2, v34;
	v18 =	vmovc v44  }
0x17e: {  	v39 =	vsel vm0, v33, v29;
	v29 =	vor.u32 v43, v41;
	v43 =	vshrl.u32 v35, $0x4  }
0x17f: {  	s26 =	sadd.s32 $0x10, s26;
	s28 =	sadd.s32 $0x100, s28;
	v33 =	vor.u32 $0x8, v29;
	v42 =	vshrl.u32 v29, $0x4;
	v41 =	vld.idx.msk [tilespmem:v40+s12+$0x0], $0xffff;
	v40 =	vadd.s32 v35, v43  }
0x180: {  	v3 =	vor.u32 v42, v33;
	_ =	sdelay $0x4  }
0x181: {  	v3 =	vld.idx.msk [tilespmem:v3+s12+$0x0], $0xffff;
	_ =	sdelay $0x1  }
0x182: {  	vm0 =	vle.f32 v41, v16  }
0x183: {  	v4 =	vsel vm0, v37, v36  }
0x184: {  	v5 =	vor.u32 $0x4, v4;
	v6 =	vshrl.u32 v4, $0x4  }
0x185: {  	v6 =	vadd.s32 v6, v5;
	vm10 =	vle.f32 v3, v17  }
0x186: {  	v7 =	vshrl.u32 v39, $0x4;
	v3 =	vor.u32 $0x4, v39;
	v8 =	vsel vm10, v33, v29  }
0x187: {  	v7 =	vadd.s32 v7, v3;
	v9 =	vor.u32 $0x4, v8;
	v29 =	vshrl.u32 v8, $0x4  }
0x188: {  	v29 =	vadd.s32 v29, v9;
	_ =	sdelay $0x1  }
0x189: {  	v6 =	vld.idx.msk [tilespmem:v6+s12+$0x0], $0xffff;
	_ =	sdelay $0x1  }
0x18a: {  	v7 =	vld.idx.msk [tilespmem:v7+s12+$0x0], $0xffff  }
0x18b: {  	vm12 =	vle.f32 v32, v11;
	v61 =	vld.idx.msk [tilespmem:v29+s12+$0x0], $0xffff  }
0x18c: {  	v23 =	vsel vm12, v24, v23  }
0x18d: {  	v63 =	vadd.s32 $0x2, v23;
	vm11 =	vle.f32 v6, v16  }
0x18e: {  	v41 =	vshrl.u32 v63, $0x4;
	v4 =	vsel vm11, v5, v4  }
0x18f: {  	v40 =	vld.idx.msk [tilespmem:v40+s12+$0x0], $0xffff;
	v42 =	vadd.s32 v63, v41;
	v5 =	vadd.s32 $0x2, v4;
	vm13 =	vle.f32 v7, v13  }
0x190: {  	v62 =	vshrl.u32 v5, $0x4;
	v3 =	vsel vm13, v3, v39;
	vm14 =	vle.f32 v61, v17  }
0x191: {  	v24 =	vadd.s32 v5, v62;
	v43 =	vadd.s32 $0x2, v3;
	v8 =	vsel vm14, v9, v8  }
0x192: {  	v44 =	vshrl.u32 v43, $0x4;
	v45 =	vadd.s32 $0x2, v8  }
0x193: {  	v9 =	vadd.s32 v43, v44;
	v46 =	vshrl.u32 v45, $0x4  }
0x194: {  	vm15 =	vle.f32 v40, v14;
	v6 =	vld.idx.msk [tilespmem:v42+s12+$0x0], $0xffff;
	v36 =	vadd.s32 v45, v46  }
0x195: {  	v7 =	vsel vm15, v35, v34  }
0x196: {  	v47 =	vadd.s32 $0x1, v7;
	v24 =	vld.idx.msk [tilespmem:v24+s12+$0x0], $0xffff  }
0x197: {  	vm4 =	vle.f32 v31, v10;
	v48 =	vshrl.u32 v47, $0x4  }
0x198: {  	v21 =	vsel vm4, v22, v21;
	v22 =	vadd.s32 v47, v48;
	v9 =	vld.idx.msk [tilespmem:v9+s12+$0x0], $0xffff  }
0x199: {  	vm1 =	vle.f32 v38, v12;
	v49 =	vadd.s32 $0x1, v21;
	vm6 =	vle.f32 v6, v11;
	v50 =	vld.idx.msk [tilespmem:v36+s12+$0x0], $0xffff  }
0x19a: {  	v28 =	vsel vm1, v30, v28;
	v51 =	vshrl.u32 v49, $0x4;
	v23 =	vsel vm6, v63, v23  }
0x19b: {  	v52 =	vadd.s32 v49, v51;
	v56 =	vadd.s32 $0x1, v23;
	vm5 =	vle.f32 v24, v16  }
0x19c: {  	v54 =	vshrl.u32 v28, $0x4;
	v58 =	vshrl.u32 v56, $0x4;
	v4 =	vsel vm5, v5, v4  }
0x19d: {  	v57 =	vld.idx.msk [tilespmem:v22+s12+$0x0], $0xffff;
	v22 =	vadd.s32 v56, v58;
	v53 =	vadd.s32 $0x1, v4;
	vm7 =	vle.f32 v9, v13  }
0x19e: {  	v55 =	vshrl.u32 v53, $0x4;
	v3 =	vsel vm7, v43, v3;
	vm8 =	vle.f32 v50, v17  }
0x19f: {  	v29 =	vadd.s32 v53, v55;
	v59 =	vadd.s32 $0x1, v3;
	v8 =	vsel vm8, v45, v8  }
0x1a0: {  	v28 =	vadd.s32 v28, v54;
	v5 =	vld.idx.msk [tilespmem:v52+s12+$0x0], $0xffff;
	v60 =	vshrl.u32 v59, $0x4;
	v61 =	vadd.s32 $0x1, v8  }
0x1a1: {  	vm9 =	vle.f32 v27, v2;
	v62 =	vadd.s32 v59, v60;
	v63 =	vshrl.u32 v61, $0x4  }
0x1a2: {  	v19 =	vsel vm9, v20, v19;
	v39 =	vld.idx.msk [tilespmem:v22+s12+$0x0], $0xffff;
	v36 =	vadd.s32 v61, v63  }
0x1a3: {  	v37 =	vshrl.u32 v19, $0x4;
	vm10 =	vle.f32 v57, v14  }
0x1a4: {  	v38 =	vadd.s32 v19, v37;
	v7 =	vsel vm10, v47, v7;
	v33 =	vld.idx.msk [tilespmem:v29+s12+$0x0], $0xffff  }
0x1a5: {  	v40 =	vld.idx.msk [tilespmem:v28+s14+$0x0], $0xffff;
	v41 =	vshrl.u32 v7, $0x4;
	vm11 =	vle.f32 v5, v10  }
0x1a6: {  	v42 =	vadd.s32 v7, v41;
	v43 =	vsel vm11, v49, v21;
	v44 =	vld.idx.msk [tilespmem:v62+s12+$0x0], $0xffff  }
0x1a7: {  	v45 =	vshrl.u32 v43, $0x4;
	vm13 =	vle.f32 v39, v11;
	v46 =	vld.idx.msk [tilespmem:v36+s12+$0x0], $0xffff  }
0x1a8: {  	v28 =	vld.idx.msk [tilespmem:v28+s13+$0x0], $0xffff;
	v7 =	vadd.s32 v43, v45;
	v19 =	vsel vm13, v56, v23  }
0x1a9: {  	v47 =	vld.idx.msk [tilespmem:v38+s14+$0x0], $0xffff;
	v50 =	vshrl.u32 v19, $0x4;
	vm12 =	vle.f32 v33, v16  }
0x1aa: {  	v9 =	vld.idx.msk [tilespmem:v38+s13+$0x0], $0xffff;
	v19 =	vadd.s32 v19, v50;
	v4 =	vsel vm12, v53, v4  }
0x1ab: {  	v49 =	vld.idx.msk [tilespmem:v42+s14+$0x0], $0xffff;
	v48 =	vshrl.u32 v4, $0x4;
	vm14 =	vle.f32 v44, v13  }
0x1ac: {  	v5 =	vld.idx.msk [tilespmem:v42+s13+$0x0], $0xffff;
	v4 =	vadd.s32 v4, v48;
	v3 =	vsel vm14, v59, v3;
	vm15 =	vle.f32 v46, v17  }
0x1ad: {  	v51 =	vld.idx.msk [tilespmem:v7+s14+$0x0], $0xffff;
	v52 =	vshrl.u32 v3, $0x4;
	v8 =	vsel vm15, v61, v8  }
0x1ae: {  	v7 =	vld.idx.msk [tilespmem:v7+s13+$0x0], $0xffff;
	v3 =	vadd.s32 v3, v52;
	v53 =	vshrl.u32 v8, $0x4  }
0x1af: {  	v56 =	vld.idx.msk [tilespmem:v19+s14+$0x0], $0xffff;
	v8 =	vadd.s32 v8, v53  }
0x1b0: {  	v19 =	vld.idx.msk [tilespmem:v19+s13+$0x0], $0xffff  }
0x1b1: {  	v1 =	vmul.f32 v26, v1;
	v54 =	vld.idx.msk [tilespmem:v4+s14+$0x0], $0xffff  }
0x1b2: {  	v15 =	vadd.f32 v15, v25;
	v55 =	vmul.f32 v40, v12;
	v4 =	vld.idx.msk [tilespmem:v4+s13+$0x0], $0xffff  }
0x1b3: {  	v1 =	vadd.f32 v1, v18;
	v2 =	vmul.f32 v47, v2;
	v58 =	vld.idx.msk [tilespmem:v3+s14+$0x0], $0xffff  }
0x1b4: {  	[tilespmem:s18+$0xC00] =	vst v15;
	v12 =	vadd.f32 v55, v28;
	v57 =	vmul.f32 v49, v14;
	v59 =	vld.idx.msk [tilespmem:v8+s14+$0x0], $0xffff  }
0x1b5: {  	[tilespmem:s19+$0xC00] =	vst v1;
	v2 =	vadd.f32 v2, v9;
	v1 =	vmul.f32 v51, v10;
	v3 =	vld.idx.msk [tilespmem:v3+s13+$0x0], $0xffff  }
0x1b6: {  	[tilespmem:s22+$0xC10] =	vst v12;
	v5 =	vadd.f32 v57, v5;
	v61 =	vmul.f32 v56, v11;
	v8 =	vld.idx.msk [tilespmem:v8+s13+$0x0], $0xffff  }
0x1b7: {  	[tilespmem:s20+$0xC00] =	vst v2;
	v1 =	vadd.f32 v1, v7;
	v60 =	vmul.f32 v54, v16  }
0x1b8: {  	[tilespmem:s23+$0xC10] =	vst v5;
	v62 =	vadd.f32 v61, v19;
	v2 =	vmul.f32 v58, v13  }
0x1b9: {  	[tilespmem:s21+$0xC00] =	vst v1;
	v4 =	vadd.f32 v60, v4;
	v63 =	vmul.f32 v59, v17  }
0x1ba: {  	[tilespmem:s22+$0xC00] =	vst v62;
	v1 =	vadd.f32 v2, v3  }
0x1bb: {  	s17 =	sadd.s32 $0x1, s17;
	[tilespmem:s24+$0xC10] =	vst v4;
	v2 =	vadd.f32 v63, v8  }
0x1bc: {  	p0 =	sne.s32 s17, s7;
	[tilespmem:s23+$0xC00] =	vst v1  }
.Ltmp1:
0x1bd: {  	[tilespmem:s24+$0xC00] =	vst v2;
	(pc) =	sbr.rel @p0 .LBB2_1-.Ltmp1, $4  }
0x1be: {  	[hbm4b:s6+s4] =	stream.linear.scatter [tilespmem:s15], [sflag:$0x3], $0x800, $0x38;
	[tilespmem:$0x1400] =	vst v63  }
0x1bf: {  	_ =	swait.ge [sflag:s16], $0x800  }
0x1c0: {  	[sflag:s16] =	ssyncset.done $0x0  }
0x1c1: {  	[sflag:s16] =	ssyncadd.s32 $0xFFFFF800  }
0x1c2: {  	_ =	sfence.sel $0x180000  }
0x1c3: {  	[bflag:$0x0] =	sbarrier.arrive $0xFFFF  }
0x1c4: {  	p0 =	sne.s32 s0, $0x0;
	_ =	strace $0x90000047  }
0x1c5: {  	s0 =	sadd.s32 @!p0 $0x100000, s1;
	[bflag:$0x2] =	sbarrier.arrive $0xFFFF  }
0x1c6: {  	[sflag:s0] =	ssyncadd.tile.s32 @!p0 $0x1;
	_ =	shalt  }
.Lfunc_end2:
_tile_overlayer_lowered:
.L_overlay_start_2:
0x1c7: {  	(tag) =	ssettag $0x2  }
0x1c8: {  	s0 =	rddreg [dreg:$0x0];
	s2 =	stileid.u32  }
0x1c9: {  	s1 =	rddreg [dreg:$0x1];
	p0 =	sne.s32 s2, $0x0  }
0x1ca: {  	s3 =	rddreg [dreg:$0x2];
	[bflag:$0x3] =	sbarrier.arrive $0xFFFF;
	s2 =	simm.s32 @!p0 $0x1C03  }
0x1cb: {  	[timem:s3], [sflag:s2] =	dma.local @!p0 [hbm:s0], s1  }
0x1cc: {  	s0 =	simm.s32 @!p0 $0x3  }
0x1cd: {  	_ =	swait.ge @!p0 [sflag:s0], s1  }
0x1ce: {  	s1 =	ssub.s32 @!p0 $0x0, s1;
	[sflag:s0] =	ssyncset.done @!p0 $0x0  }
0x1cf: {  	[sflag:s0] =	ssyncadd.s32 @!p0 s1  }
0x1d0: {  	[bflag:$0x3] =	sbarrier.arrive $0xFFFF  }
0x1d1: {  	_ =	shalt  }

</sc_bundles>
